<compile_context>
chip_gen: v7x
topology: tpu7x:2x2x1
jax: 0.10.2.dev20260603
libtpu: 0.0.44.dev20260713+nightly
codegen_flags: <defaults>
</compile_context>

<pallas_src>
import functools

import jax
import jax.numpy as jnp
from jax import lax
from jax.experimental import pallas as pl
from jax.experimental.pallas import tpu as pltpu
from jax.experimental.pallas import tpu_sc as plsc

N = 10000
D = 128
G = 64
NC = 2
NS = 16
NW = NC * NS
EB = 128
ROWS_PER_SUB = 640
ACC_ROWS = NS * ROWS_PER_SUB
ROW_BLK = 1000
SPLIT0_NUM = 28


def _sc_deg(dstp, bpw, epw):
    mesh = plsc.VectorSubcoreMesh(core_axis_name="c", subcore_axis_name="s")

    @functools.partial(
        pl.kernel,
        out_type=jax.ShapeDtypeStruct((NC * N,), jnp.float32),
        mesh=mesh,
        scratch_types=[
            pltpu.VMEM((EB,), jnp.int32),
            pltpu.VMEM((EB,), jnp.float32),
            pltpu.VMEM((ROWS_PER_SUB,), jnp.float32),
            pltpu.VMEM_SHARED((ACC_ROWS,), jnp.float32),
        ],
    )
    def deg_kernel(dstp_hbm, out_hbm, dbuf, ones_buf, zbuf, dacc):
        c = lax.axis_index("c")
        s = lax.axis_index("s")
        w = c * NS + s

        def fill_ones(i, carry):
            ones_buf[pl.ds(i * 16, 16)] = jnp.full((16,), 1.0, jnp.float32)
            return carry

        lax.fori_loop(0, EB // 16, fill_ones, 0)

        def fill_zero(i, carry):
            zbuf[pl.ds(i * 16, 16)] = jnp.zeros((16,), jnp.float32)
            return carry

        lax.fori_loop(0, ROWS_PER_SUB // 16, fill_zero, 0)
        pltpu.sync_copy(zbuf, dacc.at[pl.ds(s * ROWS_PER_SUB, ROWS_PER_SUB)])
        plsc.subcore_barrier()

        def body(i, carry):
            base = w * epw + i * EB
            pltpu.sync_copy(dstp_hbm.at[pl.ds(base, EB)], dbuf)
            pltpu.sync_copy(ones_buf, dacc.at[dbuf], add=True)
            return carry

        lax.fori_loop(0, bpw, body, 0)
        plsc.subcore_barrier()

        r0 = s * ROWS_PER_SUB
        n_last = N - (NS - 1) * ROWS_PER_SUB
        pltpu.sync_copy(dacc.at[pl.ds(r0, ROWS_PER_SUB)], zbuf)

        @pl.when(s < NS - 1)
        def _():
            pltpu.sync_copy(zbuf, out_hbm.at[pl.ds(c * N + r0, ROWS_PER_SUB)])

        @pl.when(s == NS - 1)
        def _():
            pltpu.sync_copy(zbuf.at[pl.ds(0, n_last)],
                            out_hbm.at[pl.ds(c * N + r0, n_last)])

    return deg_kernel(dstp)


def _sc_edge(z, srcp, dstp, bps0, bps1):
    mesh = plsc.VectorSubcoreMesh(core_axis_name="c", subcore_axis_name="s")

    @functools.partial(
        pl.kernel,
        out_type=jax.ShapeDtypeStruct((NC, N, D), jnp.float32),
        mesh=mesh,
        scratch_types=[
            pltpu.VMEM((EB,), jnp.int32),
            pltpu.VMEM((EB,), jnp.int32),
            pltpu.VMEM((EB, D), jnp.float32),
            pltpu.VMEM_SHARED((ACC_ROWS, D), jnp.float32),
            pltpu.SemaphoreType.DMA,
        ],
    )
    def edge_kernel(z_hbm, srcp_hbm, dstp_hbm, out_hbm, sbuf, dbuf, gbuf,
                    acc, sem):
        c = lax.axis_index("c")
        s = lax.axis_index("s")
        J = jnp.where(c == 0, bps0, bps1)
        base_w = jnp.where(c == 0, s * bps0, NS * bps0 + s * bps1) * EB

        def zero_row(i, carry):
            for j in range(D // 16):
                gbuf[i, pl.ds(j * 16, 16)] = jnp.zeros((16,), jnp.float32)
            return carry

        lax.fori_loop(0, EB, zero_row, 0)
        for k in range(ROWS_PER_SUB // EB):
            pltpu.sync_copy(gbuf, acc.at[pl.ds(s * ROWS_PER_SUB + k * EB, EB)])
        plsc.subcore_barrier()

        def body(i, carry):
            base = base_w + i * EB
            pltpu.sync_copy(srcp_hbm.at[pl.ds(base, EB)], sbuf)
            pltpu.sync_copy(dstp_hbm.at[pl.ds(base, EB)], dbuf)
            pltpu.async_copy(z_hbm.at[sbuf], gbuf, sem).wait()
            pltpu.sync_copy(gbuf, acc.at[dbuf], add=True)
            return carry

        lax.fori_loop(0, J, body, 0)
        plsc.subcore_barrier()

        r0 = s * ROWS_PER_SUB
        n_last = N - (NS - 1) * ROWS_PER_SUB

        @pl.when(s < NS - 1)
        def _():
            pltpu.sync_copy(acc.at[pl.ds(r0, ROWS_PER_SUB)],
                            out_hbm.at[c, pl.ds(r0, ROWS_PER_SUB)])

        @pl.when(s == NS - 1)
        def _():
            pltpu.sync_copy(acc.at[pl.ds(r0, n_last)],
                            out_hbm.at[c, pl.ds(r0, n_last)])

    return edge_kernel(z, srcp, dstp)


def _tc_scale_mm(x, W1, dinv):
    def body(x_ref, w_ref, dinv_ref, o_ref):
        o_ref[...] = dinv_ref[...] * jnp.dot(
            x_ref[...], w_ref[...], preferred_element_type=jnp.float32)

    return pl.pallas_call(
        body,
        grid=(N // ROW_BLK,),
        in_specs=[
            pl.BlockSpec((ROW_BLK, D), lambda i: (i, 0)),
            pl.BlockSpec((D, D), lambda i: (0, 0)),
            pl.BlockSpec((ROW_BLK, 1), lambda i: (i, 0)),
        ],
        out_specs=pl.BlockSpec((ROW_BLK, D), lambda i: (i, 0)),
        out_shape=jax.ShapeDtypeStruct((N, D), jnp.float32),
    )(x, W1, dinv)


def _tc_combine(aggP, z1, dinv, b1, W2):
    def body(agg_ref, z_ref, dinv_ref, b_ref, w_ref, o_ref):
        agg = agg_ref[0] + agg_ref[1] + z_ref[...]
        h = jnp.maximum(dinv_ref[...] * agg + b_ref[...], 0.0)
        o_ref[...] = dinv_ref[...] * jnp.dot(
            h, w_ref[...], preferred_element_type=jnp.float32)

    return pl.pallas_call(
        body,
        grid=(N // ROW_BLK,),
        in_specs=[
            pl.BlockSpec((NC, ROW_BLK, D), lambda i: (0, i, 0)),
            pl.BlockSpec((ROW_BLK, D), lambda i: (i, 0)),
            pl.BlockSpec((ROW_BLK, 1), lambda i: (i, 0)),
            pl.BlockSpec((1, D), lambda i: (0, 0)),
            pl.BlockSpec((D, D), lambda i: (0, 0)),
        ],
        out_specs=pl.BlockSpec((ROW_BLK, D), lambda i: (i, 0)),
        out_shape=jax.ShapeDtypeStruct((N, D), jnp.float32),
    )(aggP, z1, dinv, b1, W2)


def _tc_final(aggP, z2, dinv, b2, batchf, Wfc, bfc, gamma, beta):
    def body(agg_ref, z_ref, dinv_ref, b_ref, bt_ref, wfc_ref, bfc_ref,
             g_ref, be_ref, o_ref, psum, cntm):
        i = pl.program_id(0)

        @pl.when(i == 0)
        def _():
            psum[...] = jnp.zeros_like(psum)
            cntm[...] = jnp.zeros_like(cntm)

        agg = agg_ref[0] + agg_ref[1] + z_ref[...]
        h = jnp.maximum(dinv_ref[...] * agg + b_ref[...], 0.0)
        iota = lax.broadcasted_iota(jnp.int32, (ROW_BLK, 128), 1)
        onehot = (bt_ref[...] == iota).astype(jnp.float32)
        dn = (((0,), (0,)), ((), ()))
        psum[...] += lax.dot_general(onehot, h, dn,
                                     preferred_element_type=jnp.float32)
        cntm[...] += lax.dot_general(onehot, jnp.ones_like(h), dn,
                                     preferred_element_type=jnp.float32)

        @pl.when(i == pl.num_programs(0) - 1)
        def _():
            p = psum[0:G, :] / jnp.maximum(cntm[0:G, :], 1.0)
            fc = jnp.dot(p, wfc_ref[...],
                         preferred_element_type=jnp.float32) + bfc_ref[...]
            mu = jnp.mean(fc, axis=1, keepdims=True)
            var = jnp.mean((fc - mu) ** 2, axis=1, keepdims=True)
            o_ref[...] = (fc - mu) * lax.rsqrt(var + 1e-5) * g_ref[...] + be_ref[...]

    return pl.pallas_call(
        body,
        grid=(N // ROW_BLK,),
        in_specs=[
            pl.BlockSpec((NC, ROW_BLK, D), lambda i: (0, i, 0)),
            pl.BlockSpec((ROW_BLK, D), lambda i: (i, 0)),
            pl.BlockSpec((ROW_BLK, 1), lambda i: (i, 0)),
            pl.BlockSpec((1, D), lambda i: (0, 0)),
            pl.BlockSpec((ROW_BLK, 1), lambda i: (i, 0)),
            pl.BlockSpec((D, D), lambda i: (0, 0)),
            pl.BlockSpec((1, D), lambda i: (0, 0)),
            pl.BlockSpec((1, D), lambda i: (0, 0)),
            pl.BlockSpec((1, D), lambda i: (0, 0)),
        ],
        out_specs=pl.BlockSpec((G, D), lambda i: (0, 0)),
        out_shape=jax.ShapeDtypeStruct((G, D), jnp.float32),
        scratch_shapes=[
            pltpu.VMEM((128, D), jnp.float32),
            pltpu.VMEM((128, D), jnp.float32),
        ],
    )(aggP, z2, dinv, b2, batchf, Wfc, bfc, gamma, beta)


def kernel(x, edge_index, batch, W1, b1, W2, b2, Wfc, bfc, gamma, beta):
    E = edge_index.shape[1]
    bpw = pl.cdiv(E, NW * EB)
    epw = bpw * EB
    pad = epw * NW - E
    bps = 2 * bpw
    bps0 = bps * SPLIT0_NUM // 40
    bps1 = bps - bps0

    src = edge_index[0]
    dst = edge_index[1]
    srcp = jnp.concatenate([src, jnp.zeros((pad,), jnp.int32)])
    dstp = jnp.concatenate([dst, jnp.full((pad,), N, jnp.int32)])

    degP = _sc_deg(dstp, bpw, epw)
    deg = degP[:N] + degP[N:] + 1.0
    dinv = lax.rsqrt(deg)[:, None]

    z1 = _tc_scale_mm(x, W1, dinv)
    agg1 = _sc_edge(z1, srcp, dstp, bps0, bps1)
    z2 = _tc_combine(agg1, z1, dinv, b1.reshape(1, D), W2)
    agg2 = _sc_edge(z2, srcp, dstp, bps0, bps1)
    batchf = batch[:, None]
    return _tc_final(agg2, z2, dinv, b2.reshape(1, D), batchf,
                     Wfc, bfc.reshape(1, D), gamma.reshape(1, D),
                     beta.reshape(1, D))

# --- scband reference (transcript-rebuilt; emitter-appended) ---
"""Pipeline reference for scband-gcn-2-d-12352325943369 (READ-ONLY COPY).

The authoritative reference and input builder live on the scoring server;
editing this copy changes nothing except your own understanding.
"""

import jax, jax.numpy as jnp
import numpy as np

N = 10000
E = 320000
D = 128
H = 128
O = 128
G = 64


def _gcn_conv(x, src, dst, W, b, num_nodes):
    # add self loops (PyG GCNConv default)
    loop = jnp.arange(num_nodes, dtype=src.dtype)
    src = jnp.concatenate([src, loop])
    dst = jnp.concatenate([dst, loop])
    deg = jnp.zeros((num_nodes,), x.dtype).at[dst].add(1.0)
    dinv = jnp.where(deg > 0, 1.0 / jnp.sqrt(deg), 0.0)
    norm = dinv[src] * dinv[dst]
    xw = x @ W
    msg = xw[src] * norm[:, None]
    out = jnp.zeros((num_nodes, W.shape[1]), x.dtype).at[dst].add(msg)
    return out + b


def _global_mean_pool(x, batch, num_graphs):
    s = jax.ops.segment_sum(x, batch, num_segments=num_graphs)
    cnt = jax.ops.segment_sum(jnp.ones((x.shape[0],), x.dtype), batch, num_segments=num_graphs)
    return s / jnp.clip(cnt, 1.0)[:, None]


def _layer_norm(x, gamma, beta, eps=1e-5):
    mu = jnp.mean(x, axis=-1, keepdims=True)
    var = jnp.var(x, axis=-1, keepdims=True)
    return (x - mu) / jnp.sqrt(var + eps) * gamma + beta


def setup_inputs(seed: int = 0) -> dict:
    key = jax.random.key(seed)
    ks = jax.random.split(key, 12)
    x = jax.random.normal(ks[0], (N, D), dtype=jnp.float32)
    edge_index = jax.random.randint(ks[1], (2, E), 0, N, dtype=jnp.int32)
    batch = jnp.sort(jax.random.randint(ks[2], (N,), 0, G, dtype=jnp.int32))
    s1 = 1.0 / np.sqrt(D)
    s2 = 1.0 / np.sqrt(H)
    W1 = jax.random.uniform(ks[3], (D, H), jnp.float32, -s1, s1)
    b1 = jax.random.uniform(ks[4], (H,), jnp.float32, -s1, s1)
    W2 = jax.random.uniform(ks[5], (H, H), jnp.float32, -s2, s2)
    b2 = jax.random.uniform(ks[6], (H,), jnp.float32, -s2, s2)
    Wfc = jax.random.uniform(ks[7], (H, O), jnp.float32, -s2, s2)
    bfc = jax.random.uniform(ks[8], (O,), jnp.float32, -s2, s2)
    gamma = jnp.ones((O,), jnp.float32)
    beta = jnp.zeros((O,), jnp.float32)
    return {"x": x, "edge_index": edge_index, "batch": batch, "W1": W1, "b1": b1,
            "W2": W2, "b2": b2, "Wfc": Wfc, "bfc": bfc, "gamma": gamma, "beta": beta}


def reference(x, edge_index, batch, W1, b1, W2, b2, Wfc, bfc, gamma, beta):
    src, dst = edge_index[0], edge_index[1]
    h = _gcn_conv(x, src, dst, W1, b1, N)
    h = jax.nn.relu(h)
    # dropout: eval mode -> identity
    h = _gcn_conv(h, src, dst, W2, b2, N)
    h = jax.nn.relu(h)
    p = _global_mean_pool(h, batch, G)
    out = _layer_norm(p @ Wfc + bfc, gamma, beta)
    return out

if __name__ == "__main__":
    import jax
    _d = setup_inputs()
    print(jax.jit(kernel)(*tuple(_d.values())))

</pallas_src>

<mosaic_0001>
#map = affine_map<(d0, d1) -> (0, 0)>
#map1 = affine_map<(d0, d1) -> (0)>
#map2 = affine_map<(d0, d1) -> (0, 0, 0)>
module attributes {stable_mosaic.version = 14 : i64} {
  func.func @edge_kernel(%arg0: i32, %arg1: i32, %arg2: memref<10000x128xf32, #tpu.memory_space<hbm>>, %arg3: memref<323584xi32, #tpu.memory_space<hbm>>, %arg4: memref<323584xi32, #tpu.memory_space<hbm>>, %arg5: memref<2x10000x128xf32, #tpu.memory_space<hbm>>, %arg6: memref<128xi32, #tpu.memory_space<vmem>>, %arg7: memref<128xi32, #tpu.memory_space<vmem>>, %arg8: memref<128x128xf32, #tpu.memory_space<vmem>>, %arg9: memref<10240x128xf32, #tpu.memory_space<vmem_shared>>, %arg10: memref<!tpu.dma_semaphore, #tpu.memory_space<semaphore_mem>>) attributes {dimension_semantics = [#tpu.dimension_semantics<core_parallel>, #tpu.dimension_semantics<subcore_parallel>], iteration_bounds = array<i64: 2, 16>, scalar_prefetch = 0 : i64, scratch_operands = 5 : i64, tpu.core_type = #tpu.core_type<sc_vector_subcore>, window_params = [{transform_indices = #map}, {transform_indices = #map1}, {transform_indices = #map1}, {transform_indices = #map2}]} {
    %eq3A = arith.constant 0 : i32
    %eq3A_0 = arith.cmpi eq, %arg0, %eq3A : i32
    %jit3A = arith.constant 110 : i32
    %jit3A_1 = arith.constant 48 : i32
    %select_n3A = arith.select %eq3A_0, %jit3A, %jit3A_1 : i32
    %eq3A_2 = arith.constant 0 : i32
    %eq3A_3 = arith.cmpi eq, %arg0, %eq3A_2 : i32
    %mul3A = arith.constant 110 : i32
    %mul3A_4 = arith.muli %arg1, %mul3A : i32
    %mul3A_5 = arith.constant 48 : i32
    %mul3A_6 = arith.muli %arg1, %mul3A_5 : i32
    %add3A = arith.constant 1760 : i32
    %add3A_7 = arith.addi %add3A, %mul3A_6 : i32
    %select_n3A_8 = arith.select %eq3A_3, %mul3A_4, %add3A_7 : i32
    %mul3A_9 = arith.constant 128 : i32
    %mul3A_10 = arith.muli %select_n3A_8, %mul3A_9 : i32
    %scan3A = arith.constant 0 : i32
    %scan3A_11 = arith.constant 0 : i32
    %scan3A_12 = arith.constant 128 : i32
    %scan3A_13 = arith.addi %scan3A_11, %scan3A_12 : i32
    %scan3A_14 = arith.constant 1 : i32
    scf.for %scan3A_55 = %scan3A_11 to %scan3A_13 step %scan3A_14  : i32 {
      %broadcast_in_dim3A = arith.constant 0.000000e+00 : f32
      %broadcast_in_dim3A_56 = vector.broadcast %broadcast_in_dim3A : f32 to vector<16xf32>
      %swap3A = arith.index_cast %scan3A_55 : i32 to index
      %swap3A_57 = arith.constant 0 : index
      %swap3A_58 = tpu.vector_load %arg8[%swap3A, %swap3A_57] {strides = array<i32>} : memref<128x128xf32, #tpu.memory_space<vmem>>, vector<1x16xf32>,
      %swap3A_59 = vector.shape_cast %swap3A_58 : vector<1x16xf32> to vector<16xf32>
      %swap3A_60 = vector.shape_cast %broadcast_in_dim3A_56 : vector<16xf32> to vector<1x16xf32>
      tpu.vector_store %arg8[%swap3A, %swap3A_57], %swap3A_60 {strides = array<i32>} : memref<128x128xf32, #tpu.memory_space<vmem>>, vector<1x16xf32>,
      %broadcast_in_dim3A_61 = arith.constant 0.000000e+00 : f32
      %broadcast_in_dim3A_62 = vector.broadcast %broadcast_in_dim3A_61 : f32 to vector<16xf32>
      %swap3A_63 = arith.index_cast %scan3A_55 : i32 to index
      %swap3A_64 = arith.constant 16 : index
      %swap3A_65 = tpu.vector_load %arg8[%swap3A_63, %swap3A_64] {strides = array<i32>} : memref<128x128xf32, #tpu.memory_space<vmem>>, vector<1x16xf32>,
      %swap3A_66 = vector.shape_cast %swap3A_65 : vector<1x16xf32> to vector<16xf32>
      %swap3A_67 = vector.shape_cast %broadcast_in_dim3A_62 : vector<16xf32> to vector<1x16xf32>
      tpu.vector_store %arg8[%swap3A_63, %swap3A_64], %swap3A_67 {strides = array<i32>} : memref<128x128xf32, #tpu.memory_space<vmem>>, vector<1x16xf32>,
      %broadcast_in_dim3A_68 = arith.constant 0.000000e+00 : f32
      %broadcast_in_dim3A_69 = vector.broadcast %broadcast_in_dim3A_68 : f32 to vector<16xf32>
      %swap3A_70 = arith.index_cast %scan3A_55 : i32 to index
      %swap3A_71 = arith.constant 32 : index
      %swap3A_72 = tpu.vector_load %arg8[%swap3A_70, %swap3A_71] {strides = array<i32>} : memref<128x128xf32, #tpu.memory_space<vmem>>, vector<1x16xf32>,
      %swap3A_73 = vector.shape_cast %swap3A_72 : vector<1x16xf32> to vector<16xf32>
      %swap3A_74 = vector.shape_cast %broadcast_in_dim3A_69 : vector<16xf32> to vector<1x16xf32>
      tpu.vector_store %arg8[%swap3A_70, %swap3A_71], %swap3A_74 {strides = array<i32>} : memref<128x128xf32, #tpu.memory_space<vmem>>, vector<1x16xf32>,
      %broadcast_in_dim3A_75 = arith.constant 0.000000e+00 : f32
      %broadcast_in_dim3A_76 = vector.broadcast %broadcast_in_dim3A_75 : f32 to vector<16xf32>
      %swap3A_77 = arith.index_cast %scan3A_55 : i32 to index
      %swap3A_78 = arith.constant 48 : index
      %swap3A_79 = tpu.vector_load %arg8[%swap3A_77, %swap3A_78] {strides = array<i32>} : memref<128x128xf32, #tpu.memory_space<vmem>>, vector<1x16xf32>,
      %swap3A_80 = vector.shape_cast %swap3A_79 : vector<1x16xf32> to vector<16xf32>
      %swap3A_81 = vector.shape_cast %broadcast_in_dim3A_76 : vector<16xf32> to vector<1x16xf32>
      tpu.vector_store %arg8[%swap3A_77, %swap3A_78], %swap3A_81 {strides = array<i32>} : memref<128x128xf32, #tpu.memory_space<vmem>>, vector<1x16xf32>,
      %broadcast_in_dim3A_82 = arith.constant 0.000000e+00 : f32
      %broadcast_in_dim3A_83 = vector.broadcast %broadcast_in_dim3A_82 : f32 to vector<16xf32>
      %swap3A_84 = arith.index_cast %scan3A_55 : i32 to index
      %swap3A_85 = arith.constant 64 : index
      %swap3A_86 = tpu.vector_load %arg8[%swap3A_84, %swap3A_85] {strides = array<i32>} : memref<128x128xf32, #tpu.memory_space<vmem>>, vector<1x16xf32>,
      %swap3A_87 = vector.shape_cast %swap3A_86 : vector<1x16xf32> to vector<16xf32>
      %swap3A_88 = vector.shape_cast %broadcast_in_dim3A_83 : vector<16xf32> to vector<1x16xf32>
      tpu.vector_store %arg8[%swap3A_84, %swap3A_85], %swap3A_88 {strides = array<i32>} : memref<128x128xf32, #tpu.memory_space<vmem>>, vector<1x16xf32>,
      %broadcast_in_dim3A_89 = arith.constant 0.000000e+00 : f32
      %broadcast_in_dim3A_90 = vector.broadcast %broadcast_in_dim3A_89 : f32 to vector<16xf32>
      %swap3A_91 = arith.index_cast %scan3A_55 : i32 to index
      %swap3A_92 = arith.constant 80 : index
      %swap3A_93 = tpu.vector_load %arg8[%swap3A_91, %swap3A_92] {strides = array<i32>} : memref<128x128xf32, #tpu.memory_space<vmem>>, vector<1x16xf32>,
      %swap3A_94 = vector.shape_cast %swap3A_93 : vector<1x16xf32> to vector<16xf32>
      %swap3A_95 = vector.shape_cast %broadcast_in_dim3A_90 : vector<16xf32> to vector<1x16xf32>
      tpu.vector_store %arg8[%swap3A_91, %swap3A_92], %swap3A_95 {strides = array<i32>} : memref<128x128xf32, #tpu.memory_space<vmem>>, vector<1x16xf32>,
      %broadcast_in_dim3A_96 = arith.constant 0.000000e+00 : f32
      %broadcast_in_dim3A_97 = vector.broadcast %broadcast_in_dim3A_96 : f32 to vector<16xf32>
      %swap3A_98 = arith.index_cast %scan3A_55 : i32 to index
      %swap3A_99 = arith.constant 96 : index
      %swap3A_100 = tpu.vector_load %arg8[%swap3A_98, %swap3A_99] {strides = array<i32>} : memref<128x128xf32, #tpu.memory_space<vmem>>, vector<1x16xf32>,
      %swap3A_101 = vector.shape_cast %swap3A_100 : vector<1x16xf32> to vector<16xf32>
      %swap3A_102 = vector.shape_cast %broadcast_in_dim3A_97 : vector<16xf32> to vector<1x16xf32>
      tpu.vector_store %arg8[%swap3A_98, %swap3A_99], %swap3A_102 {strides = array<i32>} : memref<128x128xf32, #tpu.memory_space<vmem>>, vector<1x16xf32>,
      %broadcast_in_dim3A_103 = arith.constant 0.000000e+00 : f32
      %broadcast_in_dim3A_104 = vector.broadcast %broadcast_in_dim3A_103 : f32 to vector<16xf32>
      %swap3A_105 = arith.index_cast %scan3A_55 : i32 to index
      %swap3A_106 = arith.constant 112 : index
      %swap3A_107 = tpu.vector_load %arg8[%swap3A_105, %swap3A_106] {strides = array<i32>} : memref<128x128xf32, #tpu.memory_space<vmem>>, vector<1x16xf32>,
      %swap3A_108 = vector.shape_cast %swap3A_107 : vector<1x16xf32> to vector<16xf32>
      %swap3A_109 = vector.shape_cast %broadcast_in_dim3A_104 : vector<16xf32> to vector<1x16xf32>
      tpu.vector_store %arg8[%swap3A_105, %swap3A_106], %swap3A_109 {strides = array<i32>} : memref<128x128xf32, #tpu.memory_space<vmem>>, vector<1x16xf32>,
    }
    %scan3A_15 = arith.constant 128 : i32
    %mul3A_16 = arith.constant 640 : i32
    %mul3A_17 = arith.muli %arg1, %mul3A_16 : i32
    %add3A_18 = arith.constant 0 : i32
    %add3A_19 = arith.addi %mul3A_17, %add3A_18 : i32
    "tpu.region"() ({
      %run_scoped3A = tpu.sem_alloc : memref<!tpu.dma_semaphore, #tpu.memory_space<semaphore_mem>>
      %dma_start3A = arith.constant 0 : i32
      %dma_start3A_55 = tpu.memref_slice %arg9[%add3A_19, %dma_start3A] : memref<10240x128xf32, #tpu.memory_space<vmem_shared>> -> memref<128x128xf32, #tpu.memory_space<vmem_shared>>
      %dma_start3A_56 = arith.constant 0 : i32
      %dma_start3A_57 = tpu.memref_slice %arg9[%add3A_19, %dma_start3A_56] : memref<10240x128xf32, #tpu.memory_space<vmem_shared>> -> memref<128x128xf32, #tpu.memory_space<vmem_shared>>
      tpu.enqueue_dma source(%arg8 : memref<128x128xf32, #tpu.memory_space<vmem>>) target(%dma_start3A_57 : memref<128x128xf32, #tpu.memory_space<vmem_shared>>) target_semaphore(%run_scoped3A : memref<!tpu.dma_semaphore, #tpu.memory_space<semaphore_mem>>)
      %dma_wait3A = arith.constant 0 : i32
      %dma_wait3A_58 = tpu.memref_slice %arg9[%add3A_19, %dma_wait3A] : memref<10240x128xf32, #tpu.memory_space<vmem_shared>> -> memref<128x128xf32, #tpu.memory_space<vmem_shared>>
      %dma_wait3A_59 = arith.constant 0 : i32
      %dma_wait3A_60 = tpu.memref_slice %arg9[%add3A_19, %dma_wait3A_59] : memref<10240x128xf32, #tpu.memory_space<vmem_shared>> -> memref<128x128xf32, #tpu.memory_space<vmem_shared>>
      tpu.wait_dma2 semaphore(%run_scoped3A : memref<!tpu.dma_semaphore, #tpu.memory_space<semaphore_mem>>) src(%arg8 : memref<128x128xf32, #tpu.memory_space<vmem>>) dst(%dma_wait3A_60 : memref<128x128xf32, #tpu.memory_space<vmem_shared>>)
      tpu.yield
    }) : () -> ()
    %mul3A_20 = arith.constant 640 : i32
    %mul3A_21 = arith.muli %arg1, %mul3A_20 : i32
    %add3A_22 = arith.constant 128 : i32
    %add3A_23 = arith.addi %mul3A_21, %add3A_22 : i32
    "tpu.region"() ({
      %run_scoped3A = tpu.sem_alloc : memref<!tpu.dma_semaphore, #tpu.memory_space<semaphore_mem>>
      %dma_start3A = arith.constant 0 : i32
      %dma_start3A_55 = tpu.memref_slice %arg9[%add3A_23, %dma_start3A] : memref<10240x128xf32, #tpu.memory_space<vmem_shared>> -> memref<128x128xf32, #tpu.memory_space<vmem_shared>>
      %dma_start3A_56 = arith.constant 0 : i32
      %dma_start3A_57 = tpu.memref_slice %arg9[%add3A_23, %dma_start3A_56] : memref<10240x128xf32, #tpu.memory_space<vmem_shared>> -> memref<128x128xf32, #tpu.memory_space<vmem_shared>>
      tpu.enqueue_dma source(%arg8 : memref<128x128xf32, #tpu.memory_space<vmem>>) target(%dma_start3A_57 : memref<128x128xf32, #tpu.memory_space<vmem_shared>>) target_semaphore(%run_scoped3A : memref<!tpu.dma_semaphore, #tpu.memory_space<semaphore_mem>>)
      %dma_wait3A = arith.constant 0 : i32
      %dma_wait3A_58 = tpu.memref_slice %arg9[%add3A_23, %dma_wait3A] : memref<10240x128xf32, #tpu.memory_space<vmem_shared>> -> memref<128x128xf32, #tpu.memory_space<vmem_shared>>
      %dma_wait3A_59 = arith.constant 0 : i32
      %dma_wait3A_60 = tpu.memref_slice %arg9[%add3A_23, %dma_wait3A_59] : memref<10240x128xf32, #tpu.memory_space<vmem_shared>> -> memref<128x128xf32, #tpu.memory_space<vmem_shared>>
      tpu.wait_dma2 semaphore(%run_scoped3A : memref<!tpu.dma_semaphore, #tpu.memory_space<semaphore_mem>>) src(%arg8 : memref<128x128xf32, #tpu.memory_space<vmem>>) dst(%dma_wait3A_60 : memref<128x128xf32, #tpu.memory_space<vmem_shared>>)
      tpu.yield
    }) : () -> ()
    %mul3A_24 = arith.constant 640 : i32
    %mul3A_25 = arith.muli %arg1, %mul3A_24 : i32
    %add3A_26 = arith.constant 256 : i32
    %add3A_27 = arith.addi %mul3A_25, %add3A_26 : i32
    "tpu.region"() ({
      %run_scoped3A = tpu.sem_alloc : memref<!tpu.dma_semaphore, #tpu.memory_space<semaphore_mem>>
      %dma_start3A = arith.constant 0 : i32
      %dma_start3A_55 = tpu.memref_slice %arg9[%add3A_27, %dma_start3A] : memref<10240x128xf32, #tpu.memory_space<vmem_shared>> -> memref<128x128xf32, #tpu.memory_space<vmem_shared>>
      %dma_start3A_56 = arith.constant 0 : i32
      %dma_start3A_57 = tpu.memref_slice %arg9[%add3A_27, %dma_start3A_56] : memref<10240x128xf32, #tpu.memory_space<vmem_shared>> -> memref<128x128xf32, #tpu.memory_space<vmem_shared>>
      tpu.enqueue_dma source(%arg8 : memref<128x128xf32, #tpu.memory_space<vmem>>) target(%dma_start3A_57 : memref<128x128xf32, #tpu.memory_space<vmem_shared>>) target_semaphore(%run_scoped3A : memref<!tpu.dma_semaphore, #tpu.memory_space<semaphore_mem>>)
      %dma_wait3A = arith.constant 0 : i32
      %dma_wait3A_58 = tpu.memref_slice %arg9[%add3A_27, %dma_wait3A] : memref<10240x128xf32, #tpu.memory_space<vmem_shared>> -> memref<128x128xf32, #tpu.memory_space<vmem_shared>>
      %dma_wait3A_59 = arith.constant 0 : i32
      %dma_wait3A_60 = tpu.memref_slice %arg9[%add3A_27, %dma_wait3A_59] : memref<10240x128xf32, #tpu.memory_space<vmem_shared>> -> memref<128x128xf32, #tpu.memory_space<vmem_shared>>
      tpu.wait_dma2 semaphore(%run_scoped3A : memref<!tpu.dma_semaphore, #tpu.memory_space<semaphore_mem>>) src(%arg8 : memref<128x128xf32, #tpu.memory_space<vmem>>) dst(%dma_wait3A_60 : memref<128x128xf32, #tpu.memory_space<vmem_shared>>)
      tpu.yield
    }) : () -> ()
    %mul3A_28 = arith.constant 640 : i32
    %mul3A_29 = arith.muli %arg1, %mul3A_28 : i32
    %add3A_30 = arith.constant 384 : i32
    %add3A_31 = arith.addi %mul3A_29, %add3A_30 : i32
    "tpu.region"() ({
      %run_scoped3A = tpu.sem_alloc : memref<!tpu.dma_semaphore, #tpu.memory_space<semaphore_mem>>
      %dma_start3A = arith.constant 0 : i32
      %dma_start3A_55 = tpu.memref_slice %arg9[%add3A_31, %dma_start3A] : memref<10240x128xf32, #tpu.memory_space<vmem_shared>> -> memref<128x128xf32, #tpu.memory_space<vmem_shared>>
      %dma_start3A_56 = arith.constant 0 : i32
      %dma_start3A_57 = tpu.memref_slice %arg9[%add3A_31, %dma_start3A_56] : memref<10240x128xf32, #tpu.memory_space<vmem_shared>> -> memref<128x128xf32, #tpu.memory_space<vmem_shared>>
      tpu.enqueue_dma source(%arg8 : memref<128x128xf32, #tpu.memory_space<vmem>>) target(%dma_start3A_57 : memref<128x128xf32, #tpu.memory_space<vmem_shared>>) target_semaphore(%run_scoped3A : memref<!tpu.dma_semaphore, #tpu.memory_space<semaphore_mem>>)
      %dma_wait3A = arith.constant 0 : i32
      %dma_wait3A_58 = tpu.memref_slice %arg9[%add3A_31, %dma_wait3A] : memref<10240x128xf32, #tpu.memory_space<vmem_shared>> -> memref<128x128xf32, #tpu.memory_space<vmem_shared>>
      %dma_wait3A_59 = arith.constant 0 : i32
      %dma_wait3A_60 = tpu.memref_slice %arg9[%add3A_31, %dma_wait3A_59] : memref<10240x128xf32, #tpu.memory_space<vmem_shared>> -> memref<128x128xf32, #tpu.memory_space<vmem_shared>>
      tpu.wait_dma2 semaphore(%run_scoped3A : memref<!tpu.dma_semaphore, #tpu.memory_space<semaphore_mem>>) src(%arg8 : memref<128x128xf32, #tpu.memory_space<vmem>>) dst(%dma_wait3A_60 : memref<128x128xf32, #tpu.memory_space<vmem_shared>>)
      tpu.yield
    }) : () -> ()
    %mul3A_32 = arith.constant 640 : i32
    %mul3A_33 = arith.muli %arg1, %mul3A_32 : i32
    %add3A_34 = arith.constant 512 : i32
    %add3A_35 = arith.addi %mul3A_33, %add3A_34 : i32
    "tpu.region"() ({
      %run_scoped3A = tpu.sem_alloc : memref<!tpu.dma_semaphore, #tpu.memory_space<semaphore_mem>>
      %dma_start3A = arith.constant 0 : i32
      %dma_start3A_55 = tpu.memref_slice %arg9[%add3A_35, %dma_start3A] : memref<10240x128xf32, #tpu.memory_space<vmem_shared>> -> memref<128x128xf32, #tpu.memory_space<vmem_shared>>
      %dma_start3A_56 = arith.constant 0 : i32
      %dma_start3A_57 = tpu.memref_slice %arg9[%add3A_35, %dma_start3A_56] : memref<10240x128xf32, #tpu.memory_space<vmem_shared>> -> memref<128x128xf32, #tpu.memory_space<vmem_shared>>
      tpu.enqueue_dma source(%arg8 : memref<128x128xf32, #tpu.memory_space<vmem>>) target(%dma_start3A_57 : memref<128x128xf32, #tpu.memory_space<vmem_shared>>) target_semaphore(%run_scoped3A : memref<!tpu.dma_semaphore, #tpu.memory_space<semaphore_mem>>)
      %dma_wait3A = arith.constant 0 : i32
      %dma_wait3A_58 = tpu.memref_slice %arg9[%add3A_35, %dma_wait3A] : memref<10240x128xf32, #tpu.memory_space<vmem_shared>> -> memref<128x128xf32, #tpu.memory_space<vmem_shared>>
      %dma_wait3A_59 = arith.constant 0 : i32
      %dma_wait3A_60 = tpu.memref_slice %arg9[%add3A_35, %dma_wait3A_59] : memref<10240x128xf32, #tpu.memory_space<vmem_shared>> -> memref<128x128xf32, #tpu.memory_space<vmem_shared>>
      tpu.wait_dma2 semaphore(%run_scoped3A : memref<!tpu.dma_semaphore, #tpu.memory_space<semaphore_mem>>) src(%arg8 : memref<128x128xf32, #tpu.memory_space<vmem>>) dst(%dma_wait3A_60 : memref<128x128xf32, #tpu.memory_space<vmem_shared>>)
      tpu.yield
    }) : () -> ()
    %barrier3A = arith.constant 0 : index
    tpu.barrier barrier_id(%barrier3A)
    %while3A = arith.constant 0 : i32
    %while3A_36 = arith.constant 0 : i32
    %while3A_37 = arith.subi %select_n3A, %while3A_36 : i32
    %while3A_38 = arith.addi %while3A_36, %while3A_37 : i32
    %while3A_39 = arith.constant 1 : i32
    %while3A_40 = arith.divsi %while3A_37, %while3A_39 : i32
    %while3A_41 = arith.muli %while3A_40, %while3A_39 : i32
    %while3A_42 = arith.addi %while3A_36, %while3A_41 : i32
    %while3A_43 = arith.constant 1 : i32
    scf.for %while3A_55 = %while3A_36 to %while3A_42 step %while3A_43  : i32 {
      %mul3A_56 = arith.constant 128 : i32
      %mul3A_57 = arith.muli %while3A_55, %mul3A_56 : i32
      %add3A_58 = arith.addi %mul3A_10, %mul3A_57 : i32
      "tpu.region"() ({
        %run_scoped3A = tpu.sem_alloc : memref<!tpu.dma_semaphore, #tpu.memory_space<semaphore_mem>>
        %dma_start3A_63 = tpu.memref_slice %arg3[%add3A_58] : memref<323584xi32, #tpu.memory_space<hbm>> -> memref<128xi32, #tpu.memory_space<hbm>>
        %dma_start3A_64 = tpu.memref_slice %arg3[%add3A_58] : memref<323584xi32, #tpu.memory_space<hbm>> -> memref<128xi32, #tpu.memory_space<hbm>>
        tpu.enqueue_dma source(%dma_start3A_64 : memref<128xi32, #tpu.memory_space<hbm>>) target(%arg6 : memref<128xi32, #tpu.memory_space<vmem>>) target_semaphore(%run_scoped3A : memref<!tpu.dma_semaphore, #tpu.memory_space<semaphore_mem>>)
        %dma_wait3A_65 = tpu.memref_slice %arg3[%add3A_58] : memref<323584xi32, #tpu.memory_space<hbm>> -> memref<128xi32, #tpu.memory_space<hbm>>
        %dma_wait3A_66 = tpu.memref_slice %arg3[%add3A_58] : memref<323584xi32, #tpu.memory_space<hbm>> -> memref<128xi32, #tpu.memory_space<hbm>>
        tpu.wait_dma2 semaphore(%run_scoped3A : memref<!tpu.dma_semaphore, #tpu.memory_space<semaphore_mem>>) src(%dma_wait3A_66 : memref<128xi32, #tpu.memory_space<hbm>>) dst(%arg6 : memref<128xi32, #tpu.memory_space<vmem>>)
        tpu.yield
      }) : () -> ()
      "tpu.region"() ({
        %run_scoped3A = tpu.sem_alloc : memref<!tpu.dma_semaphore, #tpu.memory_space<semaphore_mem>>
        %dma_start3A_63 = tpu.memref_slice %arg4[%add3A_58] : memref<323584xi32, #tpu.memory_space<hbm>> -> memref<128xi32, #tpu.memory_space<hbm>>
        %dma_start3A_64 = tpu.memref_slice %arg4[%add3A_58] : memref<323584xi32, #tpu.memory_space<hbm>> -> memref<128xi32, #tpu.memory_space<hbm>>
        tpu.enqueue_dma source(%dma_start3A_64 : memref<128xi32, #tpu.memory_space<hbm>>) target(%arg7 : memref<128xi32, #tpu.memory_space<vmem>>) target_semaphore(%run_scoped3A : memref<!tpu.dma_semaphore, #tpu.memory_space<semaphore_mem>>)
        %dma_wait3A_65 = tpu.memref_slice %arg4[%add3A_58] : memref<323584xi32, #tpu.memory_space<hbm>> -> memref<128xi32, #tpu.memory_space<hbm>>
        %dma_wait3A_66 = tpu.memref_slice %arg4[%add3A_58] : memref<323584xi32, #tpu.memory_space<hbm>> -> memref<128xi32, #tpu.memory_space<hbm>>
        tpu.wait_dma2 semaphore(%run_scoped3A : memref<!tpu.dma_semaphore, #tpu.memory_space<semaphore_mem>>) src(%dma_wait3A_66 : memref<128xi32, #tpu.memory_space<hbm>>) dst(%arg7 : memref<128xi32, #tpu.memory_space<vmem>>)
        tpu.yield
      }) : () -> ()
      %dma_start3A = arith.constant 0 : i32
      %dma_start3A_59 = arith.constant 0 : i32
      %dma_start3A_60 = tpu.memref_slice %arg2[%dma_start3A, %dma_start3A_59] : memref<10000x128xf32, #tpu.memory_space<hbm>> -> memref<10000x128xf32, #tpu.memory_space<hbm>>
      tpu.enqueue_indirect_dma source(%dma_start3A_60 : memref<10000x128xf32, #tpu.memory_space<hbm>>) target(%arg8 : memref<128x128xf32, #tpu.memory_space<vmem>>) offsets(%arg6 : memref<128xi32, #tpu.memory_space<vmem>>) semaphore(%arg10 : memref<!tpu.dma_semaphore, #tpu.memory_space<semaphore_mem>>)
      %dma_wait3A = arith.constant 0 : i32
      %dma_wait3A_61 = arith.constant 0 : i32
      %dma_wait3A_62 = tpu.memref_slice %arg2[%dma_wait3A, %dma_wait3A_61] : memref<10000x128xf32, #tpu.memory_space<hbm>> -> memref<10000x128xf32, #tpu.memory_space<hbm>>
      tpu.wait_indirect_dma semaphore(%arg10 : memref<!tpu.dma_semaphore, #tpu.memory_space<semaphore_mem>>) src(%dma_wait3A_62 : memref<10000x128xf32, #tpu.memory_space<hbm>>) dst(%arg8 : memref<128x128xf32, #tpu.memory_space<vmem>>)
      "tpu.region"() ({
        %run_scoped3A = tpu.sem_alloc : memref<!tpu.dma_semaphore, #tpu.memory_space<semaphore_mem>>
        %dma_start3A_63 = arith.constant 0 : i32
        %dma_start3A_64 = arith.constant 0 : i32
        %dma_start3A_65 = tpu.memref_slice %arg9[%dma_start3A_63, %dma_start3A_64] : memref<10240x128xf32, #tpu.memory_space<vmem_shared>> -> memref<10240x128xf32, #tpu.memory_space<vmem_shared>>
        tpu.enqueue_indirect_dma source(%arg8 : memref<128x128xf32, #tpu.memory_space<vmem>>) target(%dma_start3A_65 : memref<10240x128xf32, #tpu.memory_space<vmem_shared>>) offsets(%arg7 : memref<128xi32, #tpu.memory_space<vmem>>) semaphore(%run_scoped3A : memref<!tpu.dma_semaphore, #tpu.memory_space<semaphore_mem>>) {add = true}
        %dma_wait3A_66 = arith.constant 0 : i32
        %dma_wait3A_67 = arith.constant 0 : i32
        %dma_wait3A_68 = tpu.memref_slice %arg9[%dma_wait3A_66, %dma_wait3A_67] : memref<10240x128xf32, #tpu.memory_space<vmem_shared>> -> memref<10240x128xf32, #tpu.memory_space<vmem_shared>>
        tpu.wait_indirect_dma semaphore(%run_scoped3A : memref<!tpu.dma_semaphore, #tpu.memory_space<semaphore_mem>>) src(%arg8 : memref<128x128xf32, #tpu.memory_space<vmem>>) dst(%dma_wait3A_68 : memref<10240x128xf32, #tpu.memory_space<vmem_shared>>)
        tpu.yield
      }) : () -> ()
    }
    %while3A_44 = arith.constant 1 : i32
    scf.for %while3A_55 = %while3A_42 to %while3A_38 step %while3A_44  : i32 {
      %mul3A_56 = arith.constant 128 : i32
      %mul3A_57 = arith.muli %while3A_55, %mul3A_56 : i32
      %add3A_58 = arith.addi %mul3A_10, %mul3A_57 : i32
      "tpu.region"() ({
        %run_scoped3A = tpu.sem_alloc : memref<!tpu.dma_semaphore, #tpu.memory_space<semaphore_mem>>
        %dma_start3A_63 = tpu.memref_slice %arg3[%add3A_58] : memref<323584xi32, #tpu.memory_space<hbm>> -> memref<128xi32, #tpu.memory_space<hbm>>
        %dma_start3A_64 = tpu.memref_slice %arg3[%add3A_58] : memref<323584xi32, #tpu.memory_space<hbm>> -> memref<128xi32, #tpu.memory_space<hbm>>
        tpu.enqueue_dma source(%dma_start3A_64 : memref<128xi32, #tpu.memory_space<hbm>>) target(%arg6 : memref<128xi32, #tpu.memory_space<vmem>>) target_semaphore(%run_scoped3A : memref<!tpu.dma_semaphore, #tpu.memory_space<semaphore_mem>>)
        %dma_wait3A_65 = tpu.memref_slice %arg3[%add3A_58] : memref<323584xi32, #tpu.memory_space<hbm>> -> memref<128xi32, #tpu.memory_space<hbm>>
        %dma_wait3A_66 = tpu.memref_slice %arg3[%add3A_58] : memref<323584xi32, #tpu.memory_space<hbm>> -> memref<128xi32, #tpu.memory_space<hbm>>
        tpu.wait_dma2 semaphore(%run_scoped3A : memref<!tpu.dma_semaphore, #tpu.memory_space<semaphore_mem>>) src(%dma_wait3A_66 : memref<128xi32, #tpu.memory_space<hbm>>) dst(%arg6 : memref<128xi32, #tpu.memory_space<vmem>>)
        tpu.yield
      }) : () -> ()
      "tpu.region"() ({
        %run_scoped3A = tpu.sem_alloc : memref<!tpu.dma_semaphore, #tpu.memory_space<semaphore_mem>>
        %dma_start3A_63 = tpu.memref_slice %arg4[%add3A_58] : memref<323584xi32, #tpu.memory_space<hbm>> -> memref<128xi32, #tpu.memory_space<hbm>>
        %dma_start3A_64 = tpu.memref_slice %arg4[%add3A_58] : memref<323584xi32, #tpu.memory_space<hbm>> -> memref<128xi32, #tpu.memory_space<hbm>>
        tpu.enqueue_dma source(%dma_start3A_64 : memref<128xi32, #tpu.memory_space<hbm>>) target(%arg7 : memref<128xi32, #tpu.memory_space<vmem>>) target_semaphore(%run_scoped3A : memref<!tpu.dma_semaphore, #tpu.memory_space<semaphore_mem>>)
        %dma_wait3A_65 = tpu.memref_slice %arg4[%add3A_58] : memref<323584xi32, #tpu.memory_space<hbm>> -> memref<128xi32, #tpu.memory_space<hbm>>
        %dma_wait3A_66 = tpu.memref_slice %arg4[%add3A_58] : memref<323584xi32, #tpu.memory_space<hbm>> -> memref<128xi32, #tpu.memory_space<hbm>>
        tpu.wait_dma2 semaphore(%run_scoped3A : memref<!tpu.dma_semaphore, #tpu.memory_space<semaphore_mem>>) src(%dma_wait3A_66 : memref<128xi32, #tpu.memory_space<hbm>>) dst(%arg7 : memref<128xi32, #tpu.memory_space<vmem>>)
        tpu.yield
      }) : () -> ()
      %dma_start3A = arith.constant 0 : i32
      %dma_start3A_59 = arith.constant 0 : i32
      %dma_start3A_60 = tpu.memref_slice %arg2[%dma_start3A, %dma_start3A_59] : memref<10000x128xf32, #tpu.memory_space<hbm>> -> memref<10000x128xf32, #tpu.memory_space<hbm>>
      tpu.enqueue_indirect_dma source(%dma_start3A_60 : memref<10000x128xf32, #tpu.memory_space<hbm>>) target(%arg8 : memref<128x128xf32, #tpu.memory_space<vmem>>) offsets(%arg6 : memref<128xi32, #tpu.memory_space<vmem>>) semaphore(%arg10 : memref<!tpu.dma_semaphore, #tpu.memory_space<semaphore_mem>>)
      %dma_wait3A = arith.constant 0 : i32
      %dma_wait3A_61 = arith.constant 0 : i32
      %dma_wait3A_62 = tpu.memref_slice %arg2[%dma_wait3A, %dma_wait3A_61] : memref<10000x128xf32, #tpu.memory_space<hbm>> -> memref<10000x128xf32, #tpu.memory_space<hbm>>
      tpu.wait_indirect_dma semaphore(%arg10 : memref<!tpu.dma_semaphore, #tpu.memory_space<semaphore_mem>>) src(%dma_wait3A_62 : memref<10000x128xf32, #tpu.memory_space<hbm>>) dst(%arg8 : memref<128x128xf32, #tpu.memory_space<vmem>>)
      "tpu.region"() ({
        %run_scoped3A = tpu.sem_alloc : memref<!tpu.dma_semaphore, #tpu.memory_space<semaphore_mem>>
        %dma_start3A_63 = arith.constant 0 : i32
        %dma_start3A_64 = arith.constant 0 : i32
        %dma_start3A_65 = tpu.memref_slice %arg9[%dma_start3A_63, %dma_start3A_64] : memref<10240x128xf32, #tpu.memory_space<vmem_shared>> -> memref<10240x128xf32, #tpu.memory_space<vmem_shared>>
        tpu.enqueue_indirect_dma source(%arg8 : memref<128x128xf32, #tpu.memory_space<vmem>>) target(%dma_start3A_65 : memref<10240x128xf32, #tpu.memory_space<vmem_shared>>) offsets(%arg7 : memref<128xi32, #tpu.memory_space<vmem>>) semaphore(%run_scoped3A : memref<!tpu.dma_semaphore, #tpu.memory_space<semaphore_mem>>) {add = true}
        %dma_wait3A_66 = arith.constant 0 : i32
        %dma_wait3A_67 = arith.constant 0 : i32
        %dma_wait3A_68 = tpu.memref_slice %arg9[%dma_wait3A_66, %dma_wait3A_67] : memref<10240x128xf32, #tpu.memory_space<vmem_shared>> -> memref<10240x128xf32, #tpu.memory_space<vmem_shared>>
        tpu.wait_indirect_dma semaphore(%run_scoped3A : memref<!tpu.dma_semaphore, #tpu.memory_space<semaphore_mem>>) src(%arg8 : memref<128x128xf32, #tpu.memory_space<vmem>>) dst(%dma_wait3A_68 : memref<10240x128xf32, #tpu.memory_space<vmem_shared>>)
        tpu.yield
      }) : () -> ()
    }
    %barrier3A_45 = arith.constant 0 : index
    tpu.barrier barrier_id(%barrier3A_45)
    %mul3A_46 = arith.constant 640 : i32
    %mul3A_47 = arith.muli %arg1, %mul3A_46 : i32
    %lt3A = arith.constant 15 : i32
    %lt3A_48 = arith.cmpi slt, %arg1, %lt3A : i32
    %convert_element_type3A = arith.extui %lt3A_48 : i1 to i32
    %cond3A = arith.constant 0 : i32
    %cond3A_49 = arith.cmpi ne, %convert_element_type3A, %cond3A : i32
    scf.if %cond3A_49 {
      "tpu.region"() ({
        %run_scoped3A = tpu.sem_alloc : memref<!tpu.dma_semaphore, #tpu.memory_space<semaphore_mem>>
        %dma_start3A = arith.constant 0 : i32
        %dma_start3A_55 = tpu.memref_slice %arg5[%arg0, %mul3A_47, %dma_start3A] : memref<2x10000x128xf32, #tpu.memory_space<hbm>> -> memref<1x640x128xf32, #tpu.memory_space<hbm>>
        %dma_start3A_56 = tpu.memref_squeeze %dma_start3A_55 : memref<1x640x128xf32, #tpu.memory_space<hbm>> -> memref<640x128xf32, #tpu.memory_space<hbm>>
        %dma_start3A_57 = arith.constant 0 : i32
        %dma_start3A_58 = tpu.memref_slice %arg9[%mul3A_47, %dma_start3A_57] : memref<10240x128xf32, #tpu.memory_space<vmem_shared>> -> memref<640x128xf32, #tpu.memory_space<vmem_shared>>
        tpu.enqueue_dma source(%dma_start3A_58 : memref<640x128xf32, #tpu.memory_space<vmem_shared>>) target(%dma_start3A_56 : memref<640x128xf32, #tpu.memory_space<hbm>>) target_semaphore(%run_scoped3A : memref<!tpu.dma_semaphore, #tpu.memory_space<semaphore_mem>>)
        %dma_wait3A = arith.constant 0 : i32
        %dma_wait3A_59 = tpu.memref_slice %arg5[%arg0, %mul3A_47, %dma_wait3A] : memref<2x10000x128xf32, #tpu.memory_space<hbm>> -> memref<1x640x128xf32, #tpu.memory_space<hbm>>
        %dma_wait3A_60 = tpu.memref_squeeze %dma_wait3A_59 : memref<1x640x128xf32, #tpu.memory_space<hbm>> -> memref<640x128xf32, #tpu.memory_space<hbm>>
        %dma_wait3A_61 = arith.constant 0 : i32
        %dma_wait3A_62 = tpu.memref_slice %arg9[%mul3A_47, %dma_wait3A_61] : memref<10240x128xf32, #tpu.memory_space<vmem_shared>> -> memref<640x128xf32, #tpu.memory_space<vmem_shared>>
        tpu.wait_dma2 semaphore(%run_scoped3A : memref<!tpu.dma_semaphore, #tpu.memory_space<semaphore_mem>>) src(%dma_wait3A_62 : memref<640x128xf32, #tpu.memory_space<vmem_shared>>) dst(%dma_wait3A_60 : memref<640x128xf32, #tpu.memory_space<hbm>>)
        tpu.yield
      }) : () -> ()
    } else {
    }
    %eq3A_50 = arith.constant 15 : i32
    %eq3A_51 = arith.cmpi eq, %arg1, %eq3A_50 : i32
    %convert_element_type3A_52 = arith.extui %eq3A_51 : i1 to i32
    %cond3A_53 = arith.constant 0 : i32
    %cond3A_54 = arith.cmpi ne, %convert_element_type3A_52, %cond3A_53 : i32
    scf.if %cond3A_54 {
      "tpu.region"() ({
        %run_scoped3A = tpu.sem_alloc : memref<!tpu.dma_semaphore, #tpu.memory_space<semaphore_mem>>
        %dma_start3A = arith.constant 0 : i32
        %dma_start3A_55 = tpu.memref_slice %arg5[%arg0, %mul3A_47, %dma_start3A] : memref<2x10000x128xf32, #tpu.memory_space<hbm>> -> memref<1x400x128xf32, #tpu.memory_space<hbm>>
        %dma_start3A_56 = tpu.memref_squeeze %dma_start3A_55 : memref<1x400x128xf32, #tpu.memory_space<hbm>> -> memref<400x128xf32, #tpu.memory_space<hbm>>
        %dma_start3A_57 = arith.constant 0 : i32
        %dma_start3A_58 = tpu.memref_slice %arg9[%mul3A_47, %dma_start3A_57] : memref<10240x128xf32, #tpu.memory_space<vmem_shared>> -> memref<400x128xf32, #tpu.memory_space<vmem_shared>>
        tpu.enqueue_dma source(%dma_start3A_58 : memref<400x128xf32, #tpu.memory_space<vmem_shared>>) target(%dma_start3A_56 : memref<400x128xf32, #tpu.memory_space<hbm>>) target_semaphore(%run_scoped3A : memref<!tpu.dma_semaphore, #tpu.memory_space<semaphore_mem>>)
        %dma_wait3A = arith.constant 0 : i32
        %dma_wait3A_59 = tpu.memref_slice %arg5[%arg0, %mul3A_47, %dma_wait3A] : memref<2x10000x128xf32, #tpu.memory_space<hbm>> -> memref<1x400x128xf32, #tpu.memory_space<hbm>>
        %dma_wait3A_60 = tpu.memref_squeeze %dma_wait3A_59 : memref<1x400x128xf32, #tpu.memory_space<hbm>> -> memref<400x128xf32, #tpu.memory_space<hbm>>
        %dma_wait3A_61 = arith.constant 0 : i32
        %dma_wait3A_62 = tpu.memref_slice %arg9[%mul3A_47, %dma_wait3A_61] : memref<10240x128xf32, #tpu.memory_space<vmem_shared>> -> memref<400x128xf32, #tpu.memory_space<vmem_shared>>
        tpu.wait_dma2 semaphore(%run_scoped3A : memref<!tpu.dma_semaphore, #tpu.memory_space<semaphore_mem>>) src(%dma_wait3A_62 : memref<400x128xf32, #tpu.memory_space<vmem_shared>>) dst(%dma_wait3A_60 : memref<400x128xf32, #tpu.memory_space<hbm>>)
        tpu.yield
      }) : () -> ()
    } else {
    }
    return
  }
}

#map = affine_map<(d0, d1) -> (0)>
module attributes {stable_mosaic.version = 14 : i64} {
  func.func @deg_kernel(%arg0: i32, %arg1: i32, %arg2: memref<323584xi32, #tpu.memory_space<hbm>>, %arg3: memref<20000xf32, #tpu.memory_space<hbm>>, %arg4: memref<128xi32, #tpu.memory_space<vmem>>, %arg5: memref<128xf32, #tpu.memory_space<vmem>>, %arg6: memref<640xf32, #tpu.memory_space<vmem>>, %arg7: memref<10240xf32, #tpu.memory_space<vmem_shared>>) attributes {dimension_semantics = [#tpu.dimension_semantics<core_parallel>, #tpu.dimension_semantics<subcore_parallel>], iteration_bounds = array<i64: 2, 16>, scalar_prefetch = 0 : i64, scratch_operands = 4 : i64, tpu.core_type = #tpu.core_type<sc_vector_subcore>, window_params = [{transform_indices = #map}, {transform_indices = #map}]} {
    %mul3A = arith.constant 16 : i32
    %mul3A_0 = arith.muli %arg0, %mul3A : i32
    %add3A = arith.addi %mul3A_0, %arg1 : i32
    %scan3A = arith.constant 0 : i32
    %scan3A_1 = arith.constant 0 : i32
    %scan3A_2 = arith.constant 8 : i32
    %scan3A_3 = arith.addi %scan3A_1, %scan3A_2 : i32
    %scan3A_4 = arith.constant 1 : i32
    scf.for %scan3A_29 = %scan3A_1 to %scan3A_3 step %scan3A_4  : i32 {
      %broadcast_in_dim3A = arith.constant 1.000000e+00 : f32
      %broadcast_in_dim3A_30 = vector.broadcast %broadcast_in_dim3A : f32 to vector<16xf32>
      %mul3A_31 = arith.constant 16 : i32
      %mul3A_32 = arith.muli %scan3A_29, %mul3A_31 : i32
      %swap3A = arith.index_cast %mul3A_32 : i32 to index
      %swap3A_33 = tpu.vector_load %arg5[%swap3A] {strides = array<i32>} : memref<128xf32, #tpu.memory_space<vmem>>, vector<16xf32>,
      %swap3A_34 = vector.shape_cast %swap3A_33 : vector<16xf32> to vector<16xf32>
      %swap3A_35 = vector.shape_cast %broadcast_in_dim3A_30 : vector<16xf32> to vector<16xf32>
      tpu.vector_store %arg5[%swap3A], %swap3A_35 {strides = array<i32>} : memref<128xf32, #tpu.memory_space<vmem>>, vector<16xf32>,
    }
    %scan3A_5 = arith.constant 8 : i32
    %scan3A_6 = arith.constant 0 : i32
    %scan3A_7 = arith.constant 0 : i32
    %scan3A_8 = arith.constant 40 : i32
    %scan3A_9 = arith.addi %scan3A_7, %scan3A_8 : i32
    %scan3A_10 = arith.constant 1 : i32
    scf.for %scan3A_29 = %scan3A_7 to %scan3A_9 step %scan3A_10  : i32 {
      %broadcast_in_dim3A = arith.constant 0.000000e+00 : f32
      %broadcast_in_dim3A_30 = vector.broadcast %broadcast_in_dim3A : f32 to vector<16xf32>
      %mul3A_31 = arith.constant 16 : i32
      %mul3A_32 = arith.muli %scan3A_29, %mul3A_31 : i32
      %swap3A = arith.index_cast %mul3A_32 : i32 to index
      %swap3A_33 = tpu.vector_load %arg6[%swap3A] {strides = array<i32>} : memref<640xf32, #tpu.memory_space<vmem>>, vector<16xf32>,
      %swap3A_34 = vector.shape_cast %swap3A_33 : vector<16xf32> to vector<16xf32>
      %swap3A_35 = vector.shape_cast %broadcast_in_dim3A_30 : vector<16xf32> to vector<16xf32>
      tpu.vector_store %arg6[%swap3A], %swap3A_35 {strides = array<i32>} : memref<640xf32, #tpu.memory_space<vmem>>, vector<16xf32>,
    }
    %scan3A_11 = arith.constant 40 : i32
    %mul3A_12 = arith.constant 640 : i32
    %mul3A_13 = arith.muli %arg1, %mul3A_12 : i32
    "tpu.region"() ({
      %run_scoped3A = tpu.sem_alloc : memref<!tpu.dma_semaphore, #tpu.memory_space<semaphore_mem>>
      %dma_start3A = tpu.memref_slice %arg7[%mul3A_13] : memref<10240xf32, #tpu.memory_space<vmem_shared>> -> memref<640xf32, #tpu.memory_space<vmem_shared>>
      %dma_start3A_29 = tpu.memref_slice %arg7[%mul3A_13] : memref<10240xf32, #tpu.memory_space<vmem_shared>> -> memref<640xf32, #tpu.memory_space<vmem_shared>>
      tpu.enqueue_dma source(%arg6 : memref<640xf32, #tpu.memory_space<vmem>>) target(%dma_start3A_29 : memref<640xf32, #tpu.memory_space<vmem_shared>>) target_semaphore(%run_scoped3A : memref<!tpu.dma_semaphore, #tpu.memory_space<semaphore_mem>>)
      %dma_wait3A = tpu.memref_slice %arg7[%mul3A_13] : memref<10240xf32, #tpu.memory_space<vmem_shared>> -> memref<640xf32, #tpu.memory_space<vmem_shared>>
      %dma_wait3A_30 = tpu.memref_slice %arg7[%mul3A_13] : memref<10240xf32, #tpu.memory_space<vmem_shared>> -> memref<640xf32, #tpu.memory_space<vmem_shared>>
      tpu.wait_dma2 semaphore(%run_scoped3A : memref<!tpu.dma_semaphore, #tpu.memory_space<semaphore_mem>>) src(%arg6 : memref<640xf32, #tpu.memory_space<vmem>>) dst(%dma_wait3A_30 : memref<640xf32, #tpu.memory_space<vmem_shared>>)
      tpu.yield
    }) : () -> ()
    %barrier3A = arith.constant 0 : index
    tpu.barrier barrier_id(%barrier3A)
    %scan3A_14 = arith.constant 0 : i32
    %scan3A_15 = arith.constant 0 : i32
    %scan3A_16 = arith.constant 79 : i32
    %scan3A_17 = arith.addi %scan3A_15, %scan3A_16 : i32
    %scan3A_18 = arith.constant 1 : i32
    scf.for %scan3A_29 = %scan3A_15 to %scan3A_17 step %scan3A_18  : i32 {
      %mul3A_30 = arith.constant 10112 : i32
      %mul3A_31 = arith.muli %add3A, %mul3A_30 : i32
      %mul3A_32 = arith.constant 128 : i32
      %mul3A_33 = arith.muli %scan3A_29, %mul3A_32 : i32
      %add3A_34 = arith.addi %mul3A_31, %mul3A_33 : i32
      "tpu.region"() ({
        %run_scoped3A = tpu.sem_alloc : memref<!tpu.dma_semaphore, #tpu.memory_space<semaphore_mem>>
        %dma_start3A = tpu.memref_slice %arg2[%add3A_34] : memref<323584xi32, #tpu.memory_space<hbm>> -> memref<128xi32, #tpu.memory_space<hbm>>
        %dma_start3A_35 = tpu.memref_slice %arg2[%add3A_34] : memref<323584xi32, #tpu.memory_space<hbm>> -> memref<128xi32, #tpu.memory_space<hbm>>
        tpu.enqueue_dma source(%dma_start3A_35 : memref<128xi32, #tpu.memory_space<hbm>>) target(%arg4 : memref<128xi32, #tpu.memory_space<vmem>>) target_semaphore(%run_scoped3A : memref<!tpu.dma_semaphore, #tpu.memory_space<semaphore_mem>>)
        %dma_wait3A = tpu.memref_slice %arg2[%add3A_34] : memref<323584xi32, #tpu.memory_space<hbm>> -> memref<128xi32, #tpu.memory_space<hbm>>
        %dma_wait3A_36 = tpu.memref_slice %arg2[%add3A_34] : memref<323584xi32, #tpu.memory_space<hbm>> -> memref<128xi32, #tpu.memory_space<hbm>>
        tpu.wait_dma2 semaphore(%run_scoped3A : memref<!tpu.dma_semaphore, #tpu.memory_space<semaphore_mem>>) src(%dma_wait3A_36 : memref<128xi32, #tpu.memory_space<hbm>>) dst(%arg4 : memref<128xi32, #tpu.memory_space<vmem>>)
        tpu.yield
      }) : () -> ()
      "tpu.region"() ({
        %run_scoped3A = tpu.sem_alloc : memref<!tpu.dma_semaphore, #tpu.memory_space<semaphore_mem>>
        %dma_start3A = arith.constant 0 : i32
        %dma_start3A_35 = tpu.memref_slice %arg7[%dma_start3A] : memref<10240xf32, #tpu.memory_space<vmem_shared>> -> memref<10240xf32, #tpu.memory_space<vmem_shared>>
        tpu.enqueue_indirect_dma source(%arg5 : memref<128xf32, #tpu.memory_space<vmem>>) target(%dma_start3A_35 : memref<10240xf32, #tpu.memory_space<vmem_shared>>) offsets(%arg4 : memref<128xi32, #tpu.memory_space<vmem>>) semaphore(%run_scoped3A : memref<!tpu.dma_semaphore, #tpu.memory_space<semaphore_mem>>) {add = true}
        %dma_wait3A = arith.constant 0 : i32
        %dma_wait3A_36 = tpu.memref_slice %arg7[%dma_wait3A] : memref<10240xf32, #tpu.memory_space<vmem_shared>> -> memref<10240xf32, #tpu.memory_space<vmem_shared>>
        tpu.wait_indirect_dma semaphore(%run_scoped3A : memref<!tpu.dma_semaphore, #tpu.memory_space<semaphore_mem>>) src(%arg5 : memref<128xf32, #tpu.memory_space<vmem>>) dst(%dma_wait3A_36 : memref<10240xf32, #tpu.memory_space<vmem_shared>>)
        tpu.yield
      }) : () -> ()
    }
    %scan3A_19 = arith.constant 79 : i32
    %barrier3A_20 = arith.constant 0 : index
    tpu.barrier barrier_id(%barrier3A_20)
    %mul3A_21 = arith.constant 640 : i32
    %mul3A_22 = arith.muli %arg1, %mul3A_21 : i32
    "tpu.region"() ({
      %run_scoped3A = tpu.sem_alloc : memref<!tpu.dma_semaphore, #tpu.memory_space<semaphore_mem>>
      %dma_start3A = tpu.memref_slice %arg7[%mul3A_22] : memref<10240xf32, #tpu.memory_space<vmem_shared>> -> memref<640xf32, #tpu.memory_space<vmem_shared>>
      %dma_start3A_29 = tpu.memref_slice %arg7[%mul3A_22] : memref<10240xf32, #tpu.memory_space<vmem_shared>> -> memref<640xf32, #tpu.memory_space<vmem_shared>>
      tpu.enqueue_dma source(%dma_start3A_29 : memref<640xf32, #tpu.memory_space<vmem_shared>>) target(%arg6 : memref<640xf32, #tpu.memory_space<vmem>>) target_semaphore(%run_scoped3A : memref<!tpu.dma_semaphore, #tpu.memory_space<semaphore_mem>>)
      %dma_wait3A = tpu.memref_slice %arg7[%mul3A_22] : memref<10240xf32, #tpu.memory_space<vmem_shared>> -> memref<640xf32, #tpu.memory_space<vmem_shared>>
      %dma_wait3A_30 = tpu.memref_slice %arg7[%mul3A_22] : memref<10240xf32, #tpu.memory_space<vmem_shared>> -> memref<640xf32, #tpu.memory_space<vmem_shared>>
      tpu.wait_dma2 semaphore(%run_scoped3A : memref<!tpu.dma_semaphore, #tpu.memory_space<semaphore_mem>>) src(%dma_wait3A_30 : memref<640xf32, #tpu.memory_space<vmem_shared>>) dst(%arg6 : memref<640xf32, #tpu.memory_space<vmem>>)
      tpu.yield
    }) : () -> ()
    %lt3A = arith.constant 15 : i32
    %lt3A_23 = arith.cmpi slt, %arg1, %lt3A : i32
    %convert_element_type3A = arith.extui %lt3A_23 : i1 to i32
    %cond3A = arith.constant 0 : i32
    %cond3A_24 = arith.cmpi ne, %convert_element_type3A, %cond3A : i32
    scf.if %cond3A_24 {
      %mul3A_29 = arith.constant 10000 : i32
      %mul3A_30 = arith.muli %arg0, %mul3A_29 : i32
      %add3A_31 = arith.addi %mul3A_30, %mul3A_22 : i32
      "tpu.region"() ({
        %run_scoped3A = tpu.sem_alloc : memref<!tpu.dma_semaphore, #tpu.memory_space<semaphore_mem>>
        %dma_start3A = tpu.memref_slice %arg3[%add3A_31] : memref<20000xf32, #tpu.memory_space<hbm>> -> memref<640xf32, #tpu.memory_space<hbm>>
        %dma_start3A_32 = tpu.memref_slice %arg3[%add3A_31] : memref<20000xf32, #tpu.memory_space<hbm>> -> memref<640xf32, #tpu.memory_space<hbm>>
        tpu.enqueue_dma source(%arg6 : memref<640xf32, #tpu.memory_space<vmem>>) target(%dma_start3A_32 : memref<640xf32, #tpu.memory_space<hbm>>) target_semaphore(%run_scoped3A : memref<!tpu.dma_semaphore, #tpu.memory_space<semaphore_mem>>)
        %dma_wait3A = tpu.memref_slice %arg3[%add3A_31] : memref<20000xf32, #tpu.memory_space<hbm>> -> memref<640xf32, #tpu.memory_space<hbm>>
        %dma_wait3A_33 = tpu.memref_slice %arg3[%add3A_31] : memref<20000xf32, #tpu.memory_space<hbm>> -> memref<640xf32, #tpu.memory_space<hbm>>
        tpu.wait_dma2 semaphore(%run_scoped3A : memref<!tpu.dma_semaphore, #tpu.memory_space<semaphore_mem>>) src(%arg6 : memref<640xf32, #tpu.memory_space<vmem>>) dst(%dma_wait3A_33 : memref<640xf32, #tpu.memory_space<hbm>>)
        tpu.yield
      }) : () -> ()
    } else {
    }
    %eq3A = arith.constant 15 : i32
    %eq3A_25 = arith.cmpi eq, %arg1, %eq3A : i32
    %convert_element_type3A_26 = arith.extui %eq3A_25 : i1 to i32
    %cond3A_27 = arith.constant 0 : i32
    %cond3A_28 = arith.cmpi ne, %convert_element_type3A_26, %cond3A_27 : i32
    scf.if %cond3A_28 {
      %mul3A_29 = arith.constant 10000 : i32
      %mul3A_30 = arith.muli %arg0, %mul3A_29 : i32
      %add3A_31 = arith.addi %mul3A_30, %mul3A_22 : i32
      "tpu.region"() ({
        %run_scoped3A = tpu.sem_alloc : memref<!tpu.dma_semaphore, #tpu.memory_space<semaphore_mem>>
        %dma_start3A = arith.constant 0 : i32
        %dma_start3A_32 = tpu.memref_slice %arg6[%dma_start3A] : memref<640xf32, #tpu.memory_space<vmem>> -> memref<400xf32, #tpu.memory_space<vmem>>
        %dma_start3A_33 = tpu.memref_slice %arg3[%add3A_31] : memref<20000xf32, #tpu.memory_space<hbm>> -> memref<400xf32, #tpu.memory_space<hbm>>
        %dma_start3A_34 = tpu.memref_slice %arg3[%add3A_31] : memref<20000xf32, #tpu.memory_space<hbm>> -> memref<400xf32, #tpu.memory_space<hbm>>
        %dma_start3A_35 = arith.constant 0 : i32
        %dma_start3A_36 = tpu.memref_slice %arg6[%dma_start3A_35] : memref<640xf32, #tpu.memory_space<vmem>> -> memref<400xf32, #tpu.memory_space<vmem>>
        tpu.enqueue_dma source(%dma_start3A_36 : memref<400xf32, #tpu.memory_space<vmem>>) target(%dma_start3A_34 : memref<400xf32, #tpu.memory_space<hbm>>) target_semaphore(%run_scoped3A : memref<!tpu.dma_semaphore, #tpu.memory_space<semaphore_mem>>)
        %dma_wait3A = arith.constant 0 : i32
        %dma_wait3A_37 = tpu.memref_slice %arg6[%dma_wait3A] : memref<640xf32, #tpu.memory_space<vmem>> -> memref<400xf32, #tpu.memory_space<vmem>>
        %dma_wait3A_38 = tpu.memref_slice %arg3[%add3A_31] : memref<20000xf32, #tpu.memory_space<hbm>> -> memref<400xf32, #tpu.memory_space<hbm>>
        %dma_wait3A_39 = tpu.memref_slice %arg3[%add3A_31] : memref<20000xf32, #tpu.memory_space<hbm>> -> memref<400xf32, #tpu.memory_space<hbm>>
        %dma_wait3A_40 = arith.constant 0 : i32
        %dma_wait3A_41 = tpu.memref_slice %arg6[%dma_wait3A_40] : memref<640xf32, #tpu.memory_space<vmem>> -> memref<400xf32, #tpu.memory_space<vmem>>
        tpu.wait_dma2 semaphore(%run_scoped3A : memref<!tpu.dma_semaphore, #tpu.memory_space<semaphore_mem>>) src(%dma_wait3A_41 : memref<400xf32, #tpu.memory_space<vmem>>) dst(%dma_wait3A_39 : memref<400xf32, #tpu.memory_space<hbm>>)
        tpu.yield
      }) : () -> ()
    } else {
    }
    return
  }
}

#map = affine_map<(d0, d1) -> (0, 0)>
#map1 = affine_map<(d0, d1) -> (0)>
#map2 = affine_map<(d0, d1) -> (0, 0, 0)>
module attributes {stable_mosaic.version = 14 : i64} {
  func.func @edge_kernel(%arg0: i32, %arg1: i32, %arg2: memref<10000x128xf32, #tpu.memory_space<hbm>>, %arg3: memref<323584xi32, #tpu.memory_space<hbm>>, %arg4: memref<323584xi32, #tpu.memory_space<hbm>>, %arg5: memref<2x10000x128xf32, #tpu.memory_space<hbm>>, %arg6: memref<128xi32, #tpu.memory_space<vmem>>, %arg7: memref<128xi32, #tpu.memory_space<vmem>>, %arg8: memref<128x128xf32, #tpu.memory_space<vmem>>, %arg9: memref<10240x128xf32, #tpu.memory_space<vmem_shared>>, %arg10: memref<!tpu.dma_semaphore, #tpu.memory_space<semaphore_mem>>) attributes {dimension_semantics = [#tpu.dimension_semantics<core_parallel>, #tpu.dimension_semantics<subcore_parallel>], iteration_bounds = array<i64: 2, 16>, scalar_prefetch = 0 : i64, scratch_operands = 5 : i64, tpu.core_type = #tpu.core_type<sc_vector_subcore>, window_params = [{transform_indices = #map}, {transform_indices = #map1}, {transform_indices = #map1}, {transform_indices = #map2}]} {
    %eq3A = arith.constant 0 : i32
    %eq3A_0 = arith.cmpi eq, %arg0, %eq3A : i32
    %jit3A = arith.constant 110 : i32
    %jit3A_1 = arith.constant 48 : i32
    %select_n3A = arith.select %eq3A_0, %jit3A, %jit3A_1 : i32
    %eq3A_2 = arith.constant 0 : i32
    %eq3A_3 = arith.cmpi eq, %arg0, %eq3A_2 : i32
    %mul3A = arith.constant 110 : i32
    %mul3A_4 = arith.muli %arg1, %mul3A : i32
    %mul3A_5 = arith.constant 48 : i32
    %mul3A_6 = arith.muli %arg1, %mul3A_5 : i32
    %add3A = arith.constant 1760 : i32
    %add3A_7 = arith.addi %add3A, %mul3A_6 : i32
    %select_n3A_8 = arith.select %eq3A_3, %mul3A_4, %add3A_7 : i32
    %mul3A_9 = arith.constant 128 : i32
    %mul3A_10 = arith.muli %select_n3A_8, %mul3A_9 : i32
    %scan3A = arith.constant 0 : i32
    %scan3A_11 = arith.constant 0 : i32
    %scan3A_12 = arith.constant 128 : i32
    %scan3A_13 = arith.addi %scan3A_11, %scan3A_12 : i32
    %scan3A_14 = arith.constant 1 : i32
    scf.for %scan3A_55 = %scan3A_11 to %scan3A_13 step %scan3A_14  : i32 {
      %broadcast_in_dim3A = arith.constant 0.000000e+00 : f32
      %broadcast_in_dim3A_56 = vector.broadcast %broadcast_in_dim3A : f32 to vector<16xf32>
      %swap3A = arith.index_cast %scan3A_55 : i32 to index
      %swap3A_57 = arith.constant 0 : index
      %swap3A_58 = tpu.vector_load %arg8[%swap3A, %swap3A_57] {strides = array<i32>} : memref<128x128xf32, #tpu.memory_space<vmem>>, vector<1x16xf32>,
      %swap3A_59 = vector.shape_cast %swap3A_58 : vector<1x16xf32> to vector<16xf32>
      %swap3A_60 = vector.shape_cast %broadcast_in_dim3A_56 : vector<16xf32> to vector<1x16xf32>
      tpu.vector_store %arg8[%swap3A, %swap3A_57], %swap3A_60 {strides = array<i32>} : memref<128x128xf32, #tpu.memory_space<vmem>>, vector<1x16xf32>,
      %broadcast_in_dim3A_61 = arith.constant 0.000000e+00 : f32
      %broadcast_in_dim3A_62 = vector.broadcast %broadcast_in_dim3A_61 : f32 to vector<16xf32>
      %swap3A_63 = arith.index_cast %scan3A_55 : i32 to index
      %swap3A_64 = arith.constant 16 : index
      %swap3A_65 = tpu.vector_load %arg8[%swap3A_63, %swap3A_64] {strides = array<i32>} : memref<128x128xf32, #tpu.memory_space<vmem>>, vector<1x16xf32>,
      %swap3A_66 = vector.shape_cast %swap3A_65 : vector<1x16xf32> to vector<16xf32>
      %swap3A_67 = vector.shape_cast %broadcast_in_dim3A_62 : vector<16xf32> to vector<1x16xf32>
      tpu.vector_store %arg8[%swap3A_63, %swap3A_64], %swap3A_67 {strides = array<i32>} : memref<128x128xf32, #tpu.memory_space<vmem>>, vector<1x16xf32>,
      %broadcast_in_dim3A_68 = arith.constant 0.000000e+00 : f32
      %broadcast_in_dim3A_69 = vector.broadcast %broadcast_in_dim3A_68 : f32 to vector<16xf32>
      %swap3A_70 = arith.index_cast %scan3A_55 : i32 to index
      %swap3A_71 = arith.constant 32 : index
      %swap3A_72 = tpu.vector_load %arg8[%swap3A_70, %swap3A_71] {strides = array<i32>} : memref<128x128xf32, #tpu.memory_space<vmem>>, vector<1x16xf32>,
      %swap3A_73 = vector.shape_cast %swap3A_72 : vector<1x16xf32> to vector<16xf32>
      %swap3A_74 = vector.shape_cast %broadcast_in_dim3A_69 : vector<16xf32> to vector<1x16xf32>
      tpu.vector_store %arg8[%swap3A_70, %swap3A_71], %swap3A_74 {strides = array<i32>} : memref<128x128xf32, #tpu.memory_space<vmem>>, vector<1x16xf32>,
      %broadcast_in_dim3A_75 = arith.constant 0.000000e+00 : f32
      %broadcast_in_dim3A_76 = vector.broadcast %broadcast_in_dim3A_75 : f32 to vector<16xf32>
      %swap3A_77 = arith.index_cast %scan3A_55 : i32 to index
      %swap3A_78 = arith.constant 48 : index
      %swap3A_79 = tpu.vector_load %arg8[%swap3A_77, %swap3A_78] {strides = array<i32>} : memref<128x128xf32, #tpu.memory_space<vmem>>, vector<1x16xf32>,
      %swap3A_80 = vector.shape_cast %swap3A_79 : vector<1x16xf32> to vector<16xf32>
      %swap3A_81 = vector.shape_cast %broadcast_in_dim3A_76 : vector<16xf32> to vector<1x16xf32>
      tpu.vector_store %arg8[%swap3A_77, %swap3A_78], %swap3A_81 {strides = array<i32>} : memref<128x128xf32, #tpu.memory_space<vmem>>, vector<1x16xf32>,
      %broadcast_in_dim3A_82 = arith.constant 0.000000e+00 : f32
      %broadcast_in_dim3A_83 = vector.broadcast %broadcast_in_dim3A_82 : f32 to vector<16xf32>
      %swap3A_84 = arith.index_cast %scan3A_55 : i32 to index
      %swap3A_85 = arith.constant 64 : index
      %swap3A_86 = tpu.vector_load %arg8[%swap3A_84, %swap3A_85] {strides = array<i32>} : memref<128x128xf32, #tpu.memory_space<vmem>>, vector<1x16xf32>,
      %swap3A_87 = vector.shape_cast %swap3A_86 : vector<1x16xf32> to vector<16xf32>
      %swap3A_88 = vector.shape_cast %broadcast_in_dim3A_83 : vector<16xf32> to vector<1x16xf32>
      tpu.vector_store %arg8[%swap3A_84, %swap3A_85], %swap3A_88 {strides = array<i32>} : memref<128x128xf32, #tpu.memory_space<vmem>>, vector<1x16xf32>,
      %broadcast_in_dim3A_89 = arith.constant 0.000000e+00 : f32
      %broadcast_in_dim3A_90 = vector.broadcast %broadcast_in_dim3A_89 : f32 to vector<16xf32>
      %swap3A_91 = arith.index_cast %scan3A_55 : i32 to index
      %swap3A_92 = arith.constant 80 : index
      %swap3A_93 = tpu.vector_load %arg8[%swap3A_91, %swap3A_92] {strides = array<i32>} : memref<128x128xf32, #tpu.memory_space<vmem>>, vector<1x16xf32>,
      %swap3A_94 = vector.shape_cast %swap3A_93 : vector<1x16xf32> to vector<16xf32>
      %swap3A_95 = vector.shape_cast %broadcast_in_dim3A_90 : vector<16xf32> to vector<1x16xf32>
      tpu.vector_store %arg8[%swap3A_91, %swap3A_92], %swap3A_95 {strides = array<i32>} : memref<128x128xf32, #tpu.memory_space<vmem>>, vector<1x16xf32>,
      %broadcast_in_dim3A_96 = arith.constant 0.000000e+00 : f32
      %broadcast_in_dim3A_97 = vector.broadcast %broadcast_in_dim3A_96 : f32 to vector<16xf32>
      %swap3A_98 = arith.index_cast %scan3A_55 : i32 to index
      %swap3A_99 = arith.constant 96 : index
      %swap3A_100 = tpu.vector_load %arg8[%swap3A_98, %swap3A_99] {strides = array<i32>} : memref<128x128xf32, #tpu.memory_space<vmem>>, vector<1x16xf32>,
      %swap3A_101 = vector.shape_cast %swap3A_100 : vector<1x16xf32> to vector<16xf32>
      %swap3A_102 = vector.shape_cast %broadcast_in_dim3A_97 : vector<16xf32> to vector<1x16xf32>
      tpu.vector_store %arg8[%swap3A_98, %swap3A_99], %swap3A_102 {strides = array<i32>} : memref<128x128xf32, #tpu.memory_space<vmem>>, vector<1x16xf32>,
      %broadcast_in_dim3A_103 = arith.constant 0.000000e+00 : f32
      %broadcast_in_dim3A_104 = vector.broadcast %broadcast_in_dim3A_103 : f32 to vector<16xf32>
      %swap3A_105 = arith.index_cast %scan3A_55 : i32 to index
      %swap3A_106 = arith.constant 112 : index
      %swap3A_107 = tpu.vector_load %arg8[%swap3A_105, %swap3A_106] {strides = array<i32>} : memref<128x128xf32, #tpu.memory_space<vmem>>, vector<1x16xf32>,
      %swap3A_108 = vector.shape_cast %swap3A_107 : vector<1x16xf32> to vector<16xf32>
      %swap3A_109 = vector.shape_cast %broadcast_in_dim3A_104 : vector<16xf32> to vector<1x16xf32>
      tpu.vector_store %arg8[%swap3A_105, %swap3A_106], %swap3A_109 {strides = array<i32>} : memref<128x128xf32, #tpu.memory_space<vmem>>, vector<1x16xf32>,
    }
    %scan3A_15 = arith.constant 128 : i32
    %mul3A_16 = arith.constant 640 : i32
    %mul3A_17 = arith.muli %arg1, %mul3A_16 : i32
    %add3A_18 = arith.constant 0 : i32
    %add3A_19 = arith.addi %mul3A_17, %add3A_18 : i32
    "tpu.region"() ({
      %run_scoped3A = tpu.sem_alloc : memref<!tpu.dma_semaphore, #tpu.memory_space<semaphore_mem>>
      %dma_start3A = arith.constant 0 : i32
      %dma_start3A_55 = tpu.memref_slice %arg9[%add3A_19, %dma_start3A] : memref<10240x128xf32, #tpu.memory_space<vmem_shared>> -> memref<128x128xf32, #tpu.memory_space<vmem_shared>>
      %dma_start3A_56 = arith.constant 0 : i32
      %dma_start3A_57 = tpu.memref_slice %arg9[%add3A_19, %dma_start3A_56] : memref<10240x128xf32, #tpu.memory_space<vmem_shared>> -> memref<128x128xf32, #tpu.memory_space<vmem_shared>>
      tpu.enqueue_dma source(%arg8 : memref<128x128xf32, #tpu.memory_space<vmem>>) target(%dma_start3A_57 : memref<128x128xf32, #tpu.memory_space<vmem_shared>>) target_semaphore(%run_scoped3A : memref<!tpu.dma_semaphore, #tpu.memory_space<semaphore_mem>>)
      %dma_wait3A = arith.constant 0 : i32
      %dma_wait3A_58 = tpu.memref_slice %arg9[%add3A_19, %dma_wait3A] : memref<10240x128xf32, #tpu.memory_space<vmem_shared>> -> memref<128x128xf32, #tpu.memory_space<vmem_shared>>
      %dma_wait3A_59 = arith.constant 0 : i32
      %dma_wait3A_60 = tpu.memref_slice %arg9[%add3A_19, %dma_wait3A_59] : memref<10240x128xf32, #tpu.memory_space<vmem_shared>> -> memref<128x128xf32, #tpu.memory_space<vmem_shared>>
      tpu.wait_dma2 semaphore(%run_scoped3A : memref<!tpu.dma_semaphore, #tpu.memory_space<semaphore_mem>>) src(%arg8 : memref<128x128xf32, #tpu.memory_space<vmem>>) dst(%dma_wait3A_60 : memref<128x128xf32, #tpu.memory_space<vmem_shared>>)
      tpu.yield
    }) : () -> ()
    %mul3A_20 = arith.constant 640 : i32
    %mul3A_21 = arith.muli %arg1, %mul3A_20 : i32
    %add3A_22 = arith.constant 128 : i32
    %add3A_23 = arith.addi %mul3A_21, %add3A_22 : i32
    "tpu.region"() ({
      %run_scoped3A = tpu.sem_alloc : memref<!tpu.dma_semaphore, #tpu.memory_space<semaphore_mem>>
      %dma_start3A = arith.constant 0 : i32
      %dma_start3A_55 = tpu.memref_slice %arg9[%add3A_23, %dma_start3A] : memref<10240x128xf32, #tpu.memory_space<vmem_shared>> -> memref<128x128xf32, #tpu.memory_space<vmem_shared>>
      %dma_start3A_56 = arith.constant 0 : i32
      %dma_start3A_57 = tpu.memref_slice %arg9[%add3A_23, %dma_start3A_56] : memref<10240x128xf32, #tpu.memory_space<vmem_shared>> -> memref<128x128xf32, #tpu.memory_space<vmem_shared>>
      tpu.enqueue_dma source(%arg8 : memref<128x128xf32, #tpu.memory_space<vmem>>) target(%dma_start3A_57 : memref<128x128xf32, #tpu.memory_space<vmem_shared>>) target_semaphore(%run_scoped3A : memref<!tpu.dma_semaphore, #tpu.memory_space<semaphore_mem>>)
      %dma_wait3A = arith.constant 0 : i32
      %dma_wait3A_58 = tpu.memref_slice %arg9[%add3A_23, %dma_wait3A] : memref<10240x128xf32, #tpu.memory_space<vmem_shared>> -> memref<128x128xf32, #tpu.memory_space<vmem_shared>>
      %dma_wait3A_59 = arith.constant 0 : i32
      %dma_wait3A_60 = tpu.memref_slice %arg9[%add3A_23, %dma_wait3A_59] : memref<10240x128xf32, #tpu.memory_space<vmem_shared>> -> memref<128x128xf32, #tpu.memory_space<vmem_shared>>
      tpu.wait_dma2 semaphore(%run_scoped3A : memref<!tpu.dma_semaphore, #tpu.memory_space<semaphore_mem>>) src(%arg8 : memref<128x128xf32, #tpu.memory_space<vmem>>) dst(%dma_wait3A_60 : memref<128x128xf32, #tpu.memory_space<vmem_shared>>)
      tpu.yield
    }) : () -> ()
    %mul3A_24 = arith.constant 640 : i32
    %mul3A_25 = arith.muli %arg1, %mul3A_24 : i32
    %add3A_26 = arith.constant 256 : i32
    %add3A_27 = arith.addi %mul3A_25, %add3A_26 : i32
    "tpu.region"() ({
      %run_scoped3A = tpu.sem_alloc : memref<!tpu.dma_semaphore, #tpu.memory_space<semaphore_mem>>
      %dma_start3A = arith.constant 0 : i32
      %dma_start3A_55 = tpu.memref_slice %arg9[%add3A_27, %dma_start3A] : memref<10240x128xf32, #tpu.memory_space<vmem_shared>> -> memref<128x128xf32, #tpu.memory_space<vmem_shared>>
      %dma_start3A_56 = arith.constant 0 : i32
      %dma_start3A_57 = tpu.memref_slice %arg9[%add3A_27, %dma_start3A_56] : memref<10240x128xf32, #tpu.memory_space<vmem_shared>> -> memref<128x128xf32, #tpu.memory_space<vmem_shared>>
      tpu.enqueue_dma source(%arg8 : memref<128x128xf32, #tpu.memory_space<vmem>>) target(%dma_start3A_57 : memref<128x128xf32, #tpu.memory_space<vmem_shared>>) target_semaphore(%run_scoped3A : memref<!tpu.dma_semaphore, #tpu.memory_space<semaphore_mem>>)
      %dma_wait3A = arith.constant 0 : i32
      %dma_wait3A_58 = tpu.memref_slice %arg9[%add3A_27, %dma_wait3A] : memref<10240x128xf32, #tpu.memory_space<vmem_shared>> -> memref<128x128xf32, #tpu.memory_space<vmem_shared>>
      %dma_wait3A_59 = arith.constant 0 : i32
      %dma_wait3A_60 = tpu.memref_slice %arg9[%add3A_27, %dma_wait3A_59] : memref<10240x128xf32, #tpu.memory_space<vmem_shared>> -> memref<128x128xf32, #tpu.memory_space<vmem_shared>>
      tpu.wait_dma2 semaphore(%run_scoped3A : memref<!tpu.dma_semaphore, #tpu.memory_space<semaphore_mem>>) src(%arg8 : memref<128x128xf32, #tpu.memory_space<vmem>>) dst(%dma_wait3A_60 : memref<128x128xf32, #tpu.memory_space<vmem_shared>>)
      tpu.yield
    }) : () -> ()
    %mul3A_28 = arith.constant 640 : i32
    %mul3A_29 = arith.muli %arg1, %mul3A_28 : i32
    %add3A_30 = arith.constant 384 : i32
    %add3A_31 = arith.addi %mul3A_29, %add3A_30 : i32
    "tpu.region"() ({
      %run_scoped3A = tpu.sem_alloc : memref<!tpu.dma_semaphore, #tpu.memory_space<semaphore_mem>>
      %dma_start3A = arith.constant 0 : i32
      %dma_start3A_55 = tpu.memref_slice %arg9[%add3A_31, %dma_start3A] : memref<10240x128xf32, #tpu.memory_space<vmem_shared>> -> memref<128x128xf32, #tpu.memory_space<vmem_shared>>
      %dma_start3A_56 = arith.constant 0 : i32
      %dma_start3A_57 = tpu.memref_slice %arg9[%add3A_31, %dma_start3A_56] : memref<10240x128xf32, #tpu.memory_space<vmem_shared>> -> memref<128x128xf32, #tpu.memory_space<vmem_shared>>
      tpu.enqueue_dma source(%arg8 : memref<128x128xf32, #tpu.memory_space<vmem>>) target(%dma_start3A_57 : memref<128x128xf32, #tpu.memory_space<vmem_shared>>) target_semaphore(%run_scoped3A : memref<!tpu.dma_semaphore, #tpu.memory_space<semaphore_mem>>)
      %dma_wait3A = arith.constant 0 : i32
      %dma_wait3A_58 = tpu.memref_slice %arg9[%add3A_31, %dma_wait3A] : memref<10240x128xf32, #tpu.memory_space<vmem_shared>> -> memref<128x128xf32, #tpu.memory_space<vmem_shared>>
      %dma_wait3A_59 = arith.constant 0 : i32
      %dma_wait3A_60 = tpu.memref_slice %arg9[%add3A_31, %dma_wait3A_59] : memref<10240x128xf32, #tpu.memory_space<vmem_shared>> -> memref<128x128xf32, #tpu.memory_space<vmem_shared>>
      tpu.wait_dma2 semaphore(%run_scoped3A : memref<!tpu.dma_semaphore, #tpu.memory_space<semaphore_mem>>) src(%arg8 : memref<128x128xf32, #tpu.memory_space<vmem>>) dst(%dma_wait3A_60 : memref<128x128xf32, #tpu.memory_space<vmem_shared>>)
      tpu.yield
    }) : () -> ()
    %mul3A_32 = arith.constant 640 : i32
    %mul3A_33 = arith.muli %arg1, %mul3A_32 : i32
    %add3A_34 = arith.constant 512 : i32
    %add3A_35 = arith.addi %mul3A_33, %add3A_34 : i32
    "tpu.region"() ({
      %run_scoped3A = tpu.sem_alloc : memref<!tpu.dma_semaphore, #tpu.memory_space<semaphore_mem>>
      %dma_start3A = arith.constant 0 : i32
      %dma_start3A_55 = tpu.memref_slice %arg9[%add3A_35, %dma_start3A] : memref<10240x128xf32, #tpu.memory_space<vmem_shared>> -> memref<128x128xf32, #tpu.memory_space<vmem_shared>>
      %dma_start3A_56 = arith.constant 0 : i32
      %dma_start3A_57 = tpu.memref_slice %arg9[%add3A_35, %dma_start3A_56] : memref<10240x128xf32, #tpu.memory_space<vmem_shared>> -> memref<128x128xf32, #tpu.memory_space<vmem_shared>>
      tpu.enqueue_dma source(%arg8 : memref<128x128xf32, #tpu.memory_space<vmem>>) target(%dma_start3A_57 : memref<128x128xf32, #tpu.memory_space<vmem_shared>>) target_semaphore(%run_scoped3A : memref<!tpu.dma_semaphore, #tpu.memory_space<semaphore_mem>>)
      %dma_wait3A = arith.constant 0 : i32
      %dma_wait3A_58 = tpu.memref_slice %arg9[%add3A_35, %dma_wait3A] : memref<10240x128xf32, #tpu.memory_space<vmem_shared>> -> memref<128x128xf32, #tpu.memory_space<vmem_shared>>
      %dma_wait3A_59 = arith.constant 0 : i32
      %dma_wait3A_60 = tpu.memref_slice %arg9[%add3A_35, %dma_wait3A_59] : memref<10240x128xf32, #tpu.memory_space<vmem_shared>> -> memref<128x128xf32, #tpu.memory_space<vmem_shared>>
      tpu.wait_dma2 semaphore(%run_scoped3A : memref<!tpu.dma_semaphore, #tpu.memory_space<semaphore_mem>>) src(%arg8 : memref<128x128xf32, #tpu.memory_space<vmem>>) dst(%dma_wait3A_60 : memref<128x128xf32, #tpu.memory_space<vmem_shared>>)
      tpu.yield
    }) : () -> ()
    %barrier3A = arith.constant 0 : index
    tpu.barrier barrier_id(%barrier3A)
    %while3A = arith.constant 0 : i32
    %while3A_36 = arith.constant 0 : i32
    %while3A_37 = arith.subi %select_n3A, %while3A_36 : i32
    %while3A_38 = arith.addi %while3A_36, %while3A_37 : i32
    %while3A_39 = arith.constant 1 : i32
    %while3A_40 = arith.divsi %while3A_37, %while3A_39 : i32
    %while3A_41 = arith.muli %while3A_40, %while3A_39 : i32
    %while3A_42 = arith.addi %while3A_36, %while3A_41 : i32
    %while3A_43 = arith.constant 1 : i32
    scf.for %while3A_55 = %while3A_36 to %while3A_42 step %while3A_43  : i32 {
      %mul3A_56 = arith.constant 128 : i32
      %mul3A_57 = arith.muli %while3A_55, %mul3A_56 : i32
      %add3A_58 = arith.addi %mul3A_10, %mul3A_57 : i32
      "tpu.region"() ({
        %run_scoped3A = tpu.sem_alloc : memref<!tpu.dma_semaphore, #tpu.memory_space<semaphore_mem>>
        %dma_start3A_63 = tpu.memref_slice %arg3[%add3A_58] : memref<323584xi32, #tpu.memory_space<hbm>> -> memref<128xi32, #tpu.memory_space<hbm>>
        %dma_start3A_64 = tpu.memref_slice %arg3[%add3A_58] : memref<323584xi32, #tpu.memory_space<hbm>> -> memref<128xi32, #tpu.memory_space<hbm>>
        tpu.enqueue_dma source(%dma_start3A_64 : memref<128xi32, #tpu.memory_space<hbm>>) target(%arg6 : memref<128xi32, #tpu.memory_space<vmem>>) target_semaphore(%run_scoped3A : memref<!tpu.dma_semaphore, #tpu.memory_space<semaphore_mem>>)
        %dma_wait3A_65 = tpu.memref_slice %arg3[%add3A_58] : memref<323584xi32, #tpu.memory_space<hbm>> -> memref<128xi32, #tpu.memory_space<hbm>>
        %dma_wait3A_66 = tpu.memref_slice %arg3[%add3A_58] : memref<323584xi32, #tpu.memory_space<hbm>> -> memref<128xi32, #tpu.memory_space<hbm>>
        tpu.wait_dma2 semaphore(%run_scoped3A : memref<!tpu.dma_semaphore, #tpu.memory_space<semaphore_mem>>) src(%dma_wait3A_66 : memref<128xi32, #tpu.memory_space<hbm>>) dst(%arg6 : memref<128xi32, #tpu.memory_space<vmem>>)
        tpu.yield
      }) : () -> ()
      "tpu.region"() ({
        %run_scoped3A = tpu.sem_alloc : memref<!tpu.dma_semaphore, #tpu.memory_space<semaphore_mem>>
        %dma_start3A_63 = tpu.memref_slice %arg4[%add3A_58] : memref<323584xi32, #tpu.memory_space<hbm>> -> memref<128xi32, #tpu.memory_space<hbm>>
        %dma_start3A_64 = tpu.memref_slice %arg4[%add3A_58] : memref<323584xi32, #tpu.memory_space<hbm>> -> memref<128xi32, #tpu.memory_space<hbm>>
        tpu.enqueue_dma source(%dma_start3A_64 : memref<128xi32, #tpu.memory_space<hbm>>) target(%arg7 : memref<128xi32, #tpu.memory_space<vmem>>) target_semaphore(%run_scoped3A : memref<!tpu.dma_semaphore, #tpu.memory_space<semaphore_mem>>)
        %dma_wait3A_65 = tpu.memref_slice %arg4[%add3A_58] : memref<323584xi32, #tpu.memory_space<hbm>> -> memref<128xi32, #tpu.memory_space<hbm>>
        %dma_wait3A_66 = tpu.memref_slice %arg4[%add3A_58] : memref<323584xi32, #tpu.memory_space<hbm>> -> memref<128xi32, #tpu.memory_space<hbm>>
        tpu.wait_dma2 semaphore(%run_scoped3A : memref<!tpu.dma_semaphore, #tpu.memory_space<semaphore_mem>>) src(%dma_wait3A_66 : memref<128xi32, #tpu.memory_space<hbm>>) dst(%arg7 : memref<128xi32, #tpu.memory_space<vmem>>)
        tpu.yield
      }) : () -> ()
      %dma_start3A = arith.constant 0 : i32
      %dma_start3A_59 = arith.constant 0 : i32
      %dma_start3A_60 = tpu.memref_slice %arg2[%dma_start3A, %dma_start3A_59] : memref<10000x128xf32, #tpu.memory_space<hbm>> -> memref<10000x128xf32, #tpu.memory_space<hbm>>
      tpu.enqueue_indirect_dma source(%dma_start3A_60 : memref<10000x128xf32, #tpu.memory_space<hbm>>) target(%arg8 : memref<128x128xf32, #tpu.memory_space<vmem>>) offsets(%arg6 : memref<128xi32, #tpu.memory_space<vmem>>) semaphore(%arg10 : memref<!tpu.dma_semaphore, #tpu.memory_space<semaphore_mem>>)
      %dma_wait3A = arith.constant 0 : i32
      %dma_wait3A_61 = arith.constant 0 : i32
      %dma_wait3A_62 = tpu.memref_slice %arg2[%dma_wait3A, %dma_wait3A_61] : memref<10000x128xf32, #tpu.memory_space<hbm>> -> memref<10000x128xf32, #tpu.memory_space<hbm>>
      tpu.wait_indirect_dma semaphore(%arg10 : memref<!tpu.dma_semaphore, #tpu.memory_space<semaphore_mem>>) src(%dma_wait3A_62 : memref<10000x128xf32, #tpu.memory_space<hbm>>) dst(%arg8 : memref<128x128xf32, #tpu.memory_space<vmem>>)
      "tpu.region"() ({
        %run_scoped3A = tpu.sem_alloc : memref<!tpu.dma_semaphore, #tpu.memory_space<semaphore_mem>>
        %dma_start3A_63 = arith.constant 0 : i32
        %dma_start3A_64 = arith.constant 0 : i32
        %dma_start3A_65 = tpu.memref_slice %arg9[%dma_start3A_63, %dma_start3A_64] : memref<10240x128xf32, #tpu.memory_space<vmem_shared>> -> memref<10240x128xf32, #tpu.memory_space<vmem_shared>>
        tpu.enqueue_indirect_dma source(%arg8 : memref<128x128xf32, #tpu.memory_space<vmem>>) target(%dma_start3A_65 : memref<10240x128xf32, #tpu.memory_space<vmem_shared>>) offsets(%arg7 : memref<128xi32, #tpu.memory_space<vmem>>) semaphore(%run_scoped3A : memref<!tpu.dma_semaphore, #tpu.memory_space<semaphore_mem>>) {add = true}
        %dma_wait3A_66 = arith.constant 0 : i32
        %dma_wait3A_67 = arith.constant 0 : i32
        %dma_wait3A_68 = tpu.memref_slice %arg9[%dma_wait3A_66, %dma_wait3A_67] : memref<10240x128xf32, #tpu.memory_space<vmem_shared>> -> memref<10240x128xf32, #tpu.memory_space<vmem_shared>>
        tpu.wait_indirect_dma semaphore(%run_scoped3A : memref<!tpu.dma_semaphore, #tpu.memory_space<semaphore_mem>>) src(%arg8 : memref<128x128xf32, #tpu.memory_space<vmem>>) dst(%dma_wait3A_68 : memref<10240x128xf32, #tpu.memory_space<vmem_shared>>)
        tpu.yield
      }) : () -> ()
    }
    %while3A_44 = arith.constant 1 : i32
    scf.for %while3A_55 = %while3A_42 to %while3A_38 step %while3A_44  : i32 {
      %mul3A_56 = arith.constant 128 : i32
      %mul3A_57 = arith.muli %while3A_55, %mul3A_56 : i32
      %add3A_58 = arith.addi %mul3A_10, %mul3A_57 : i32
      "tpu.region"() ({
        %run_scoped3A = tpu.sem_alloc : memref<!tpu.dma_semaphore, #tpu.memory_space<semaphore_mem>>
        %dma_start3A_63 = tpu.memref_slice %arg3[%add3A_58] : memref<323584xi32, #tpu.memory_space<hbm>> -> memref<128xi32, #tpu.memory_space<hbm>>
        %dma_start3A_64 = tpu.memref_slice %arg3[%add3A_58] : memref<323584xi32, #tpu.memory_space<hbm>> -> memref<128xi32, #tpu.memory_space<hbm>>
        tpu.enqueue_dma source(%dma_start3A_64 : memref<128xi32, #tpu.memory_space<hbm>>) target(%arg6 : memref<128xi32, #tpu.memory_space<vmem>>) target_semaphore(%run_scoped3A : memref<!tpu.dma_semaphore, #tpu.memory_space<semaphore_mem>>)
        %dma_wait3A_65 = tpu.memref_slice %arg3[%add3A_58] : memref<323584xi32, #tpu.memory_space<hbm>> -> memref<128xi32, #tpu.memory_space<hbm>>
        %dma_wait3A_66 = tpu.memref_slice %arg3[%add3A_58] : memref<323584xi32, #tpu.memory_space<hbm>> -> memref<128xi32, #tpu.memory_space<hbm>>
        tpu.wait_dma2 semaphore(%run_scoped3A : memref<!tpu.dma_semaphore, #tpu.memory_space<semaphore_mem>>) src(%dma_wait3A_66 : memref<128xi32, #tpu.memory_space<hbm>>) dst(%arg6 : memref<128xi32, #tpu.memory_space<vmem>>)
        tpu.yield
      }) : () -> ()
      "tpu.region"() ({
        %run_scoped3A = tpu.sem_alloc : memref<!tpu.dma_semaphore, #tpu.memory_space<semaphore_mem>>
        %dma_start3A_63 = tpu.memref_slice %arg4[%add3A_58] : memref<323584xi32, #tpu.memory_space<hbm>> -> memref<128xi32, #tpu.memory_space<hbm>>
        %dma_start3A_64 = tpu.memref_slice %arg4[%add3A_58] : memref<323584xi32, #tpu.memory_space<hbm>> -> memref<128xi32, #tpu.memory_space<hbm>>
        tpu.enqueue_dma source(%dma_start3A_64 : memref<128xi32, #tpu.memory_space<hbm>>) target(%arg7 : memref<128xi32, #tpu.memory_space<vmem>>) target_semaphore(%run_scoped3A : memref<!tpu.dma_semaphore, #tpu.memory_space<semaphore_mem>>)
        %dma_wait3A_65 = tpu.memref_slice %arg4[%add3A_58] : memref<323584xi32, #tpu.memory_space<hbm>> -> memref<128xi32, #tpu.memory_space<hbm>>
        %dma_wait3A_66 = tpu.memref_slice %arg4[%add3A_58] : memref<323584xi32, #tpu.memory_space<hbm>> -> memref<128xi32, #tpu.memory_space<hbm>>
        tpu.wait_dma2 semaphore(%run_scoped3A : memref<!tpu.dma_semaphore, #tpu.memory_space<semaphore_mem>>) src(%dma_wait3A_66 : memref<128xi32, #tpu.memory_space<hbm>>) dst(%arg7 : memref<128xi32, #tpu.memory_space<vmem>>)
        tpu.yield
      }) : () -> ()
      %dma_start3A = arith.constant 0 : i32
      %dma_start3A_59 = arith.constant 0 : i32
      %dma_start3A_60 = tpu.memref_slice %arg2[%dma_start3A, %dma_start3A_59] : memref<10000x128xf32, #tpu.memory_space<hbm>> -> memref<10000x128xf32, #tpu.memory_space<hbm>>
      tpu.enqueue_indirect_dma source(%dma_start3A_60 : memref<10000x128xf32, #tpu.memory_space<hbm>>) target(%arg8 : memref<128x128xf32, #tpu.memory_space<vmem>>) offsets(%arg6 : memref<128xi32, #tpu.memory_space<vmem>>) semaphore(%arg10 : memref<!tpu.dma_semaphore, #tpu.memory_space<semaphore_mem>>)
      %dma_wait3A = arith.constant 0 : i32
      %dma_wait3A_61 = arith.constant 0 : i32
      %dma_wait3A_62 = tpu.memref_slice %arg2[%dma_wait3A, %dma_wait3A_61] : memref<10000x128xf32, #tpu.memory_space<hbm>> -> memref<10000x128xf32, #tpu.memory_space<hbm>>
      tpu.wait_indirect_dma semaphore(%arg10 : memref<!tpu.dma_semaphore, #tpu.memory_space<semaphore_mem>>) src(%dma_wait3A_62 : memref<10000x128xf32, #tpu.memory_space<hbm>>) dst(%arg8 : memref<128x128xf32, #tpu.memory_space<vmem>>)
      "tpu.region"() ({
        %run_scoped3A = tpu.sem_alloc : memref<!tpu.dma_semaphore, #tpu.memory_space<semaphore_mem>>
        %dma_start3A_63 = arith.constant 0 : i32
        %dma_start3A_64 = arith.constant 0 : i32
        %dma_start3A_65 = tpu.memref_slice %arg9[%dma_start3A_63, %dma_start3A_64] : memref<10240x128xf32, #tpu.memory_space<vmem_shared>> -> memref<10240x128xf32, #tpu.memory_space<vmem_shared>>
        tpu.enqueue_indirect_dma source(%arg8 : memref<128x128xf32, #tpu.memory_space<vmem>>) target(%dma_start3A_65 : memref<10240x128xf32, #tpu.memory_space<vmem_shared>>) offsets(%arg7 : memref<128xi32, #tpu.memory_space<vmem>>) semaphore(%run_scoped3A : memref<!tpu.dma_semaphore, #tpu.memory_space<semaphore_mem>>) {add = true}
        %dma_wait3A_66 = arith.constant 0 : i32
        %dma_wait3A_67 = arith.constant 0 : i32
        %dma_wait3A_68 = tpu.memref_slice %arg9[%dma_wait3A_66, %dma_wait3A_67] : memref<10240x128xf32, #tpu.memory_space<vmem_shared>> -> memref<10240x128xf32, #tpu.memory_space<vmem_shared>>
        tpu.wait_indirect_dma semaphore(%run_scoped3A : memref<!tpu.dma_semaphore, #tpu.memory_space<semaphore_mem>>) src(%arg8 : memref<128x128xf32, #tpu.memory_space<vmem>>) dst(%dma_wait3A_68 : memref<10240x128xf32, #tpu.memory_space<vmem_shared>>)
        tpu.yield
      }) : () -> ()
    }
    %barrier3A_45 = arith.constant 0 : index
    tpu.barrier barrier_id(%barrier3A_45)
    %mul3A_46 = arith.constant 640 : i32
    %mul3A_47 = arith.muli %arg1, %mul3A_46 : i32
    %lt3A = arith.constant 15 : i32
    %lt3A_48 = arith.cmpi slt, %arg1, %lt3A : i32
    %convert_element_type3A = arith.extui %lt3A_48 : i1 to i32
    %cond3A = arith.constant 0 : i32
    %cond3A_49 = arith.cmpi ne, %convert_element_type3A, %cond3A : i32
    scf.if %cond3A_49 {
      "tpu.region"() ({
        %run_scoped3A = tpu.sem_alloc : memref<!tpu.dma_semaphore, #tpu.memory_space<semaphore_mem>>
        %dma_start3A = arith.constant 0 : i32
        %dma_start3A_55 = tpu.memref_slice %arg5[%arg0, %mul3A_47, %dma_start3A] : memref<2x10000x128xf32, #tpu.memory_space<hbm>> -> memref<1x640x128xf32, #tpu.memory_space<hbm>>
        %dma_start3A_56 = tpu.memref_squeeze %dma_start3A_55 : memref<1x640x128xf32, #tpu.memory_space<hbm>> -> memref<640x128xf32, #tpu.memory_space<hbm>>
        %dma_start3A_57 = arith.constant 0 : i32
        %dma_start3A_58 = tpu.memref_slice %arg9[%mul3A_47, %dma_start3A_57] : memref<10240x128xf32, #tpu.memory_space<vmem_shared>> -> memref<640x128xf32, #tpu.memory_space<vmem_shared>>
        tpu.enqueue_dma source(%dma_start3A_58 : memref<640x128xf32, #tpu.memory_space<vmem_shared>>) target(%dma_start3A_56 : memref<640x128xf32, #tpu.memory_space<hbm>>) target_semaphore(%run_scoped3A : memref<!tpu.dma_semaphore, #tpu.memory_space<semaphore_mem>>)
        %dma_wait3A = arith.constant 0 : i32
        %dma_wait3A_59 = tpu.memref_slice %arg5[%arg0, %mul3A_47, %dma_wait3A] : memref<2x10000x128xf32, #tpu.memory_space<hbm>> -> memref<1x640x128xf32, #tpu.memory_space<hbm>>
        %dma_wait3A_60 = tpu.memref_squeeze %dma_wait3A_59 : memref<1x640x128xf32, #tpu.memory_space<hbm>> -> memref<640x128xf32, #tpu.memory_space<hbm>>
        %dma_wait3A_61 = arith.constant 0 : i32
        %dma_wait3A_62 = tpu.memref_slice %arg9[%mul3A_47, %dma_wait3A_61] : memref<10240x128xf32, #tpu.memory_space<vmem_shared>> -> memref<640x128xf32, #tpu.memory_space<vmem_shared>>
        tpu.wait_dma2 semaphore(%run_scoped3A : memref<!tpu.dma_semaphore, #tpu.memory_space<semaphore_mem>>) src(%dma_wait3A_62 : memref<640x128xf32, #tpu.memory_space<vmem_shared>>) dst(%dma_wait3A_60 : memref<640x128xf32, #tpu.memory_space<hbm>>)
        tpu.yield
      }) : () -> ()
    } else {
    }
    %eq3A_50 = arith.constant 15 : i32
    %eq3A_51 = arith.cmpi eq, %arg1, %eq3A_50 : i32
    %convert_element_type3A_52 = arith.extui %eq3A_51 : i1 to i32
    %cond3A_53 = arith.constant 0 : i32
    %cond3A_54 = arith.cmpi ne, %convert_element_type3A_52, %cond3A_53 : i32
    scf.if %cond3A_54 {
      "tpu.region"() ({
        %run_scoped3A = tpu.sem_alloc : memref<!tpu.dma_semaphore, #tpu.memory_space<semaphore_mem>>
        %dma_start3A = arith.constant 0 : i32
        %dma_start3A_55 = tpu.memref_slice %arg5[%arg0, %mul3A_47, %dma_start3A] : memref<2x10000x128xf32, #tpu.memory_space<hbm>> -> memref<1x400x128xf32, #tpu.memory_space<hbm>>
        %dma_start3A_56 = tpu.memref_squeeze %dma_start3A_55 : memref<1x400x128xf32, #tpu.memory_space<hbm>> -> memref<400x128xf32, #tpu.memory_space<hbm>>
        %dma_start3A_57 = arith.constant 0 : i32
        %dma_start3A_58 = tpu.memref_slice %arg9[%mul3A_47, %dma_start3A_57] : memref<10240x128xf32, #tpu.memory_space<vmem_shared>> -> memref<400x128xf32, #tpu.memory_space<vmem_shared>>
        tpu.enqueue_dma source(%dma_start3A_58 : memref<400x128xf32, #tpu.memory_space<vmem_shared>>) target(%dma_start3A_56 : memref<400x128xf32, #tpu.memory_space<hbm>>) target_semaphore(%run_scoped3A : memref<!tpu.dma_semaphore, #tpu.memory_space<semaphore_mem>>)
        %dma_wait3A = arith.constant 0 : i32
        %dma_wait3A_59 = tpu.memref_slice %arg5[%arg0, %mul3A_47, %dma_wait3A] : memref<2x10000x128xf32, #tpu.memory_space<hbm>> -> memref<1x400x128xf32, #tpu.memory_space<hbm>>
        %dma_wait3A_60 = tpu.memref_squeeze %dma_wait3A_59 : memref<1x400x128xf32, #tpu.memory_space<hbm>> -> memref<400x128xf32, #tpu.memory_space<hbm>>
        %dma_wait3A_61 = arith.constant 0 : i32
        %dma_wait3A_62 = tpu.memref_slice %arg9[%mul3A_47, %dma_wait3A_61] : memref<10240x128xf32, #tpu.memory_space<vmem_shared>> -> memref<400x128xf32, #tpu.memory_space<vmem_shared>>
        tpu.wait_dma2 semaphore(%run_scoped3A : memref<!tpu.dma_semaphore, #tpu.memory_space<semaphore_mem>>) src(%dma_wait3A_62 : memref<400x128xf32, #tpu.memory_space<vmem_shared>>) dst(%dma_wait3A_60 : memref<400x128xf32, #tpu.memory_space<hbm>>)
        tpu.yield
      }) : () -> ()
    } else {
    }
    return
  }
}

module attributes {stable_mosaic.version = 14 : i64} {
  func.func @body(%arg0: i32, %arg1: memref<1000x128xf32, #tpu.memory_space<vmem>>, %arg2: memref<128x128xf32, #tpu.memory_space<vmem>>, %arg3: memref<1000x1xf32, #tpu.memory_space<vmem>>, %arg4: memref<1000x128xf32, #tpu.memory_space<vmem>>) attributes {dimension_semantics = [#tpu.dimension_semantics<arbitrary>], iteration_bounds = array<i64: 10>, scalar_prefetch = 0 : i64, scratch_operands = 0 : i64, tpu.core_type = #tpu.core_type<tc>, window_params = [{transform_indices = @transform_0, window_bounds = array<i64: 1000, 128>}, {pipeline_mode = #tpu.pipeline_mode<synchronous>, transform_indices = @transform_1, window_bounds = array<i64: 128, 128>}, {transform_indices = @transform_2, window_bounds = array<i64: 1000, 1>}, {transform_indices = @transform_3, window_bounds = array<i64: 1000, 128>}]} {
    %get3A = arith.constant 0 : index
    %get3A_0 = arith.constant 0 : index
    %get3A_1 = vector.load %arg3[%get3A, %get3A_0] : memref<1000x1xf32, #tpu.memory_space<vmem>>, vector<1000x1xf32>
    %get3A_2 = arith.constant 0 : index
    %get3A_3 = arith.constant 0 : index
    %get3A_4 = vector.load %arg1[%get3A_2, %get3A_3] : memref<1000x128xf32, #tpu.memory_space<vmem>>, vector<1000x128xf32>
    %get3A_5 = arith.constant 0 : index
    %get3A_6 = arith.constant 0 : index
    %get3A_7 = vector.load %arg2[%get3A_5, %get3A_6] : memref<128x128xf32, #tpu.memory_space<vmem>>, vector<128x128xf32>
    %dot_general3A = arith.constant dense<0.000000e+00> : vector<1000x128xf32>
    %dot_general3A_8 = tpu.matmul %get3A_4, %get3A_7, %dot_general3A {dimension_numbers = #tpu.dot_dimension_numbers<[1], [0], [0], [1], [0, 0, 1, 1], [], []>, transpose_lhs_hint = false} : vector<1000x128xf32>, vector<128x128xf32>, vector<1000x128xf32> -> vector<1000x128xf32>
    %mul3A = vector.broadcast %get3A_1 : vector<1000x1xf32> to vector<1000x128xf32>
    %mul3A_9 = arith.mulf %mul3A, %dot_general3A_8 : vector<1000x128xf32>
    %swap3A = arith.constant 0 : index
    %swap3A_10 = arith.constant 0 : index
    %swap3A_11 = vector.load %arg4[%swap3A, %swap3A_10] : memref<1000x128xf32, #tpu.memory_space<vmem>>, vector<1000x128xf32>
    tpu.vector_store %arg4[%swap3A, %swap3A_10], %mul3A_9 {strides = array<i32>} : memref<1000x128xf32, #tpu.memory_space<vmem>>, vector<1000x128xf32>,
    return
  }
  func.func @transform_0(%arg0: i32) -> (i32, i32) {
    %c0_i32 = arith.constant 0 : i32
    %c0_i32_0 = arith.constant 0 : i32
    return %arg0, %c0_i32 : i32, i32
  }
  func.func @transform_1(%arg0: i32) -> (i32, i32) {
    %c0_i32 = arith.constant 0 : i32
    %c0_i32_0 = arith.constant 0 : i32
    %c0_i32_1 = arith.constant 0 : i32
    return %c0_i32, %c0_i32_0 : i32, i32
  }
  func.func @transform_2(%arg0: i32) -> (i32, i32) {
    %c0_i32 = arith.constant 0 : i32
    %c0_i32_0 = arith.constant 0 : i32
    return %arg0, %c0_i32 : i32, i32
  }
  func.func @transform_3(%arg0: i32) -> (i32, i32) {
    %c0_i32 = arith.constant 0 : i32
    %c0_i32_0 = arith.constant 0 : i32
    return %arg0, %c0_i32 : i32, i32
  }
}

module attributes {stable_mosaic.version = 14 : i64} {
  func.func @body(%arg0: i32, %arg1: memref<2x1000x128xf32, #tpu.memory_space<vmem>>, %arg2: memref<1000x128xf32, #tpu.memory_space<vmem>>, %arg3: memref<1000x1xf32, #tpu.memory_space<vmem>>, %arg4: memref<1x128xf32, #tpu.memory_space<vmem>>, %arg5: memref<128x128xf32, #tpu.memory_space<vmem>>, %arg6: memref<1000x128xf32, #tpu.memory_space<vmem>>) attributes {dimension_semantics = [#tpu.dimension_semantics<arbitrary>], iteration_bounds = array<i64: 10>, scalar_prefetch = 0 : i64, scratch_operands = 0 : i64, tpu.core_type = #tpu.core_type<tc>, window_params = [{transform_indices = @transform_0, window_bounds = array<i64: 2, 1000, 128>}, {transform_indices = @transform_1, window_bounds = array<i64: 1000, 128>}, {transform_indices = @transform_2, window_bounds = array<i64: 1000, 1>}, {pipeline_mode = #tpu.pipeline_mode<synchronous>, transform_indices = @transform_3, window_bounds = array<i64: 1, 128>}, {pipeline_mode = #tpu.pipeline_mode<synchronous>, transform_indices = @transform_4, window_bounds = array<i64: 128, 128>}, {transform_indices = @transform_5, window_bounds = array<i64: 1000, 128>}]} {
    %get3A = arith.constant 0 : index
    %get3A_0 = arith.constant 0 : index
    %get3A_1 = arith.constant 0 : index
    %get3A_2 = vector.load %arg1[%get3A, %get3A_0, %get3A_1] : memref<2x1000x128xf32, #tpu.memory_space<vmem>>, vector<1x1000x128xf32>
    %get3A_3 = vector.shape_cast %get3A_2 : vector<1x1000x128xf32> to vector<1000x128xf32>
    %get3A_4 = arith.constant 1 : index
    %get3A_5 = arith.constant 0 : index
    %get3A_6 = arith.constant 0 : index
    %get3A_7 = vector.load %arg1[%get3A_4, %get3A_5, %get3A_6] : memref<2x1000x128xf32, #tpu.memory_space<vmem>>, vector<1x1000x128xf32>
    %get3A_8 = vector.shape_cast %get3A_7 : vector<1x1000x128xf32> to vector<1000x128xf32>
    %add3A = arith.addf %get3A_3, %get3A_8 : vector<1000x128xf32>
    %get3A_9 = arith.constant 0 : index
    %get3A_10 = arith.constant 0 : index
    %get3A_11 = vector.load %arg2[%get3A_9, %get3A_10] : memref<1000x128xf32, #tpu.memory_space<vmem>>, vector<1000x128xf32>
    %add3A_12 = arith.addf %add3A, %get3A_11 : vector<1000x128xf32>
    %get3A_13 = arith.constant 0 : index
    %get3A_14 = arith.constant 0 : index
    %get3A_15 = vector.load %arg3[%get3A_13, %get3A_14] : memref<1000x1xf32, #tpu.memory_space<vmem>>, vector<1000x1xf32>
    %mul3A = vector.broadcast %get3A_15 : vector<1000x1xf32> to vector<1000x128xf32>
    %mul3A_16 = arith.mulf %mul3A, %add3A_12 : vector<1000x128xf32>
    %get3A_17 = arith.constant 0 : index
    %get3A_18 = arith.constant 0 : index
    %get3A_19 = vector.load %arg4[%get3A_17, %get3A_18] : memref<1x128xf32, #tpu.memory_space<vmem>>, vector<1x128xf32>
    %add3A_20 = vector.broadcast %get3A_19 : vector<1x128xf32> to vector<1000x128xf32>
    %add3A_21 = arith.addf %mul3A_16, %add3A_20 : vector<1000x128xf32>
    %max3A = arith.constant 0.000000e+00 : f32
    %max3A_22 = vector.broadcast %max3A : f32 to vector<1000x128xf32>
    %max3A_23 = arith.maximumf %add3A_21, %max3A_22 : vector<1000x128xf32>
    %get3A_24 = arith.constant 0 : index
    %get3A_25 = arith.constant 0 : index
    %get3A_26 = vector.load %arg3[%get3A_24, %get3A_25] : memref<1000x1xf32, #tpu.memory_space<vmem>>, vector<1000x1xf32>
    %get3A_27 = arith.constant 0 : index
    %get3A_28 = arith.constant 0 : index
    %get3A_29 = vector.load %arg5[%get3A_27, %get3A_28] : memref<128x128xf32, #tpu.memory_space<vmem>>, vector<128x128xf32>
    %dot_general3A = arith.constant dense<0.000000e+00> : vector<1000x128xf32>
    %dot_general3A_30 = tpu.matmul %max3A_23, %get3A_29, %dot_general3A {dimension_numbers = #tpu.dot_dimension_numbers<[1], [0], [0], [1], [0, 0, 1, 1], [], []>, transpose_lhs_hint = false} : vector<1000x128xf32>, vector<128x128xf32>, vector<1000x128xf32> -> vector<1000x128xf32>
    %mul3A_31 = vector.broadcast %get3A_26 : vector<1000x1xf32> to vector<1000x128xf32>
    %mul3A_32 = arith.mulf %mul3A_31, %dot_general3A_30 : vector<1000x128xf32>
    %swap3A = arith.constant 0 : index
    %swap3A_33 = arith.constant 0 : index
    %swap3A_34 = vector.load %arg6[%swap3A, %swap3A_33] : memref<1000x128xf32, #tpu.memory_space<vmem>>, vector<1000x128xf32>
    tpu.vector_store %arg6[%swap3A, %swap3A_33], %mul3A_32 {strides = array<i32>} : memref<1000x128xf32, #tpu.memory_space<vmem>>, vector<1000x128xf32>,
    return
  }
  func.func @transform_0(%arg0: i32) -> (i32, i32, i32) {
    %c0_i32 = arith.constant 0 : i32
    %c0_i32_0 = arith.constant 0 : i32
    %c0_i32_1 = arith.constant 0 : i32
    return %c0_i32, %arg0, %c0_i32_0 : i32, i32, i32
  }
  func.func @transform_1(%arg0: i32) -> (i32, i32) {
    %c0_i32 = arith.constant 0 : i32
    %c0_i32_0 = arith.constant 0 : i32
    return %arg0, %c0_i32 : i32, i32
  }
  func.func @transform_2(%arg0: i32) -> (i32, i32) {
    %c0_i32 = arith.constant 0 : i32
    %c0_i32_0 = arith.constant 0 : i32
    return %arg0, %c0_i32 : i32, i32
  }
  func.func @transform_3(%arg0: i32) -> (i32, i32) {
    %c0_i32 = arith.constant 0 : i32
    %c0_i32_0 = arith.constant 0 : i32
    %c0_i32_1 = arith.constant 0 : i32
    return %c0_i32, %c0_i32_0 : i32, i32
  }
  func.func @transform_4(%arg0: i32) -> (i32, i32) {
    %c0_i32 = arith.constant 0 : i32
    %c0_i32_0 = arith.constant 0 : i32
    %c0_i32_1 = arith.constant 0 : i32
    return %c0_i32, %c0_i32_0 : i32, i32
  }
  func.func @transform_5(%arg0: i32) -> (i32, i32) {
    %c0_i32 = arith.constant 0 : i32
    %c0_i32_0 = arith.constant 0 : i32
    return %arg0, %c0_i32 : i32, i32
  }
}

module attributes {stable_mosaic.version = 14 : i64} {
  func.func @body(%arg0: i32, %arg1: memref<2x1000x128xf32, #tpu.memory_space<vmem>>, %arg2: memref<1000x128xf32, #tpu.memory_space<vmem>>, %arg3: memref<1000x1xf32, #tpu.memory_space<vmem>>, %arg4: memref<1x128xf32, #tpu.memory_space<vmem>>, %arg5: memref<1000x1xi32, #tpu.memory_space<vmem>>, %arg6: memref<128x128xf32, #tpu.memory_space<vmem>>, %arg7: memref<1x128xf32, #tpu.memory_space<vmem>>, %arg8: memref<1x128xf32, #tpu.memory_space<vmem>>, %arg9: memref<1x128xf32, #tpu.memory_space<vmem>>, %arg10: memref<64x128xf32, #tpu.memory_space<vmem>>, %arg11: memref<128x128xf32, #tpu.memory_space<vmem>>, %arg12: memref<128x128xf32, #tpu.memory_space<vmem>>) attributes {dimension_semantics = [#tpu.dimension_semantics<arbitrary>], iteration_bounds = array<i64: 10>, scalar_prefetch = 0 : i64, scratch_operands = 2 : i64, tpu.core_type = #tpu.core_type<tc>, window_params = [{transform_indices = @transform_0, window_bounds = array<i64: 2, 1000, 128>}, {transform_indices = @transform_1, window_bounds = array<i64: 1000, 128>}, {transform_indices = @transform_2, window_bounds = array<i64: 1000, 1>}, {pipeline_mode = #tpu.pipeline_mode<synchronous>, transform_indices = @transform_3, window_bounds = array<i64: 1, 128>}, {transform_indices = @transform_4, window_bounds = array<i64: 1000, 1>}, {pipeline_mode = #tpu.pipeline_mode<synchronous>, transform_indices = @transform_5, window_bounds = array<i64: 128, 128>}, {pipeline_mode = #tpu.pipeline_mode<synchronous>, transform_indices = @transform_6, window_bounds = array<i64: 1, 128>}, {pipeline_mode = #tpu.pipeline_mode<synchronous>, transform_indices = @transform_7, window_bounds = array<i64: 1, 128>}, {pipeline_mode = #tpu.pipeline_mode<synchronous>, transform_indices = @transform_8, window_bounds = array<i64: 1, 128>}, {pipeline_mode = #tpu.pipeline_mode<synchronous>, transform_indices = @transform_9, window_bounds = array<i64: 64, 128>}]} {
    %eq3A = arith.constant 0 : i32
    %eq3A_0 = arith.cmpi eq, %arg0, %eq3A : i32
    %convert_element_type3A = arith.extui %eq3A_0 : i1 to i32
    %cond3A = arith.constant 0 : i32
    %cond3A_1 = arith.cmpi ne, %convert_element_type3A, %cond3A : i32
    scf.if %cond3A_1 {
      %broadcast_in_dim3A_55 = arith.constant 0.000000e+00 : f32
      %broadcast_in_dim3A_56 = vector.broadcast %broadcast_in_dim3A_55 : f32 to vector<128x128xf32>
      %swap3A_57 = arith.constant 0 : index
      %swap3A_58 = arith.constant 0 : index
      %swap3A_59 = vector.load %arg11[%swap3A_57, %swap3A_58] : memref<128x128xf32, #tpu.memory_space<vmem>>, vector<128x128xf32>
      tpu.vector_store %arg11[%swap3A_57, %swap3A_58], %broadcast_in_dim3A_56 {strides = array<i32>} : memref<128x128xf32, #tpu.memory_space<vmem>>, vector<128x128xf32>,
      %broadcast_in_dim3A_60 = arith.constant 0.000000e+00 : f32
      %broadcast_in_dim3A_61 = vector.broadcast %broadcast_in_dim3A_60 : f32 to vector<128x128xf32>
      %swap3A_62 = arith.constant 0 : index
      %swap3A_63 = arith.constant 0 : index
      %swap3A_64 = vector.load %arg12[%swap3A_62, %swap3A_63] : memref<128x128xf32, #tpu.memory_space<vmem>>, vector<128x128xf32>
      tpu.vector_store %arg12[%swap3A_62, %swap3A_63], %broadcast_in_dim3A_61 {strides = array<i32>} : memref<128x128xf32, #tpu.memory_space<vmem>>, vector<128x128xf32>,
    } else {
    }
    %get3A = arith.constant 0 : index
    %get3A_2 = arith.constant 0 : index
    %get3A_3 = arith.constant 0 : index
    %get3A_4 = vector.load %arg1[%get3A, %get3A_2, %get3A_3] : memref<2x1000x128xf32, #tpu.memory_space<vmem>>, vector<1x1000x128xf32>
    %get3A_5 = vector.shape_cast %get3A_4 : vector<1x1000x128xf32> to vector<1000x128xf32>
    %get3A_6 = arith.constant 1 : index
    %get3A_7 = arith.constant 0 : index
    %get3A_8 = arith.constant 0 : index
    %get3A_9 = vector.load %arg1[%get3A_6, %get3A_7, %get3A_8] : memref<2x1000x128xf32, #tpu.memory_space<vmem>>, vector<1x1000x128xf32>
    %get3A_10 = vector.shape_cast %get3A_9 : vector<1x1000x128xf32> to vector<1000x128xf32>
    %add3A = arith.addf %get3A_5, %get3A_10 : vector<1000x128xf32>
    %get3A_11 = arith.constant 0 : index
    %get3A_12 = arith.constant 0 : index
    %get3A_13 = vector.load %arg2[%get3A_11, %get3A_12] : memref<1000x128xf32, #tpu.memory_space<vmem>>, vector<1000x128xf32>
    %add3A_14 = arith.addf %add3A, %get3A_13 : vector<1000x128xf32>
    %get3A_15 = arith.constant 0 : index
    %get3A_16 = arith.constant 0 : index
    %get3A_17 = vector.load %arg3[%get3A_15, %get3A_16] : memref<1000x1xf32, #tpu.memory_space<vmem>>, vector<1000x1xf32>
    %mul3A = vector.broadcast %get3A_17 : vector<1000x1xf32> to vector<1000x128xf32>
    %mul3A_18 = arith.mulf %mul3A, %add3A_14 : vector<1000x128xf32>
    %get3A_19 = arith.constant 0 : index
    %get3A_20 = arith.constant 0 : index
    %get3A_21 = vector.load %arg4[%get3A_19, %get3A_20] : memref<1x128xf32, #tpu.memory_space<vmem>>, vector<1x128xf32>
    %add3A_22 = vector.broadcast %get3A_21 : vector<1x128xf32> to vector<1000x128xf32>
    %add3A_23 = arith.addf %mul3A_18, %add3A_22 : vector<1000x128xf32>
    %max3A = arith.constant 0.000000e+00 : f32
    %max3A_24 = vector.broadcast %max3A : f32 to vector<1000x128xf32>
    %max3A_25 = arith.maximumf %add3A_23, %max3A_24 : vector<1000x128xf32>
    %iota3A = tpu.iota {dimensions = array<i32: 1>} : vector<1000x128xi32>
    %get3A_26 = arith.constant 0 : index
    %get3A_27 = arith.constant 0 : index
    %get3A_28 = vector.load %arg5[%get3A_26, %get3A_27] : memref<1000x1xi32, #tpu.memory_space<vmem>>, vector<1000x1xi32>
    %eq3A_29 = vector.broadcast %get3A_28 : vector<1000x1xi32> to vector<1000x128xi32>
    %eq3A_30 = arith.cmpi eq, %eq3A_29, %iota3A : vector<1000x128xi32>
    %convert_element_type3A_31 = arith.extui %eq3A_30 : vector<1000x128xi1> to vector<1000x128xi32>
    %convert_element_type3A_32 = arith.sitofp %convert_element_type3A_31 : vector<1000x128xi32> to vector<1000x128xf32>
    %get3A_33 = arith.constant 0 : index
    %get3A_34 = arith.constant 0 : index
    %get3A_35 = vector.load %arg11[%get3A_33, %get3A_34] : memref<128x128xf32, #tpu.memory_space<vmem>>, vector<128x128xf32>
    %dot_general3A = arith.constant dense<0.000000e+00> : vector<128x128xf32>
    %dot_general3A_36 = tpu.matmul %convert_element_type3A_32, %max3A_25, %dot_general3A {dimension_numbers = #tpu.dot_dimension_numbers<[0], [0], [1], [1], [0, 1, 1, 1], [], []>, transpose_lhs_hint = false} : vector<1000x128xf32>, vector<1000x128xf32>, vector<128x128xf32> -> vector<128x128xf32>
    %add3A_37 = arith.addf %get3A_35, %dot_general3A_36 : vector<128x128xf32>
    %swap3A = arith.constant 0 : index
    %swap3A_38 = arith.constant 0 : index
    %swap3A_39 = vector.load %arg11[%swap3A, %swap3A_38] : memref<128x128xf32, #tpu.memory_space<vmem>>, vector<128x128xf32>
    tpu.vector_store %arg11[%swap3A, %swap3A_38], %add3A_37 {strides = array<i32>} : memref<128x128xf32, #tpu.memory_space<vmem>>, vector<128x128xf32>,
    %get3A_40 = arith.constant 0 : index
    %get3A_41 = arith.constant 0 : index
    %get3A_42 = vector.load %arg12[%get3A_40, %get3A_41] : memref<128x128xf32, #tpu.memory_space<vmem>>, vector<128x128xf32>
    %broadcast_in_dim3A = arith.constant 1.000000e+00 : f32
    %broadcast_in_dim3A_43 = vector.broadcast %broadcast_in_dim3A : f32 to vector<1000x128xf32>
    %dot_general3A_44 = arith.constant dense<0.000000e+00> : vector<128x128xf32>
    %dot_general3A_45 = tpu.matmul %convert_element_type3A_32, %broadcast_in_dim3A_43, %dot_general3A_44 {dimension_numbers = #tpu.dot_dimension_numbers<[0], [0], [1], [1], [0, 1, 1, 1], [], []>, transpose_lhs_hint = false} : vector<1000x128xf32>, vector<1000x128xf32>, vector<128x128xf32> -> vector<128x128xf32>
    %add3A_46 = arith.addf %get3A_42, %dot_general3A_45 : vector<128x128xf32>
    %swap3A_47 = arith.constant 0 : index
    %swap3A_48 = arith.constant 0 : index
    %swap3A_49 = vector.load %arg12[%swap3A_47, %swap3A_48] : memref<128x128xf32, #tpu.memory_space<vmem>>, vector<128x128xf32>
    tpu.vector_store %arg12[%swap3A_47, %swap3A_48], %add3A_46 {strides = array<i32>} : memref<128x128xf32, #tpu.memory_space<vmem>>, vector<128x128xf32>,
    %eq3A_50 = arith.constant 9 : i32
    %eq3A_51 = arith.cmpi eq, %arg0, %eq3A_50 : i32
    %convert_element_type3A_52 = arith.extui %eq3A_51 : i1 to i32
    %cond3A_53 = arith.constant 0 : i32
    %cond3A_54 = arith.cmpi ne, %convert_element_type3A_52, %cond3A_53 : i32
    scf.if %cond3A_54 {
      %get3A_55 = arith.constant 0 : index
      %get3A_56 = arith.constant 0 : index
      %get3A_57 = vector.load %arg11[%get3A_55, %get3A_56] : memref<128x128xf32, #tpu.memory_space<vmem>>, vector<64x128xf32>
      %get3A_58 = arith.constant 0 : index
      %get3A_59 = arith.constant 0 : index
      %get3A_60 = vector.load %arg12[%get3A_58, %get3A_59] : memref<128x128xf32, #tpu.memory_space<vmem>>, vector<64x128xf32>
      %max3A_61 = arith.constant 1.000000e+00 : f32
      %max3A_62 = vector.broadcast %max3A_61 : f32 to vector<64x128xf32>
      %max3A_63 = arith.maximumf %get3A_60, %max3A_62 : vector<64x128xf32>
      %div3A = arith.divf %get3A_57, %max3A_63 : vector<64x128xf32>
      %get3A_64 = arith.constant 0 : index
      %get3A_65 = arith.constant 0 : index
      %get3A_66 = vector.load %arg6[%get3A_64, %get3A_65] : memref<128x128xf32, #tpu.memory_space<vmem>>, vector<128x128xf32>
      %dot_general3A_67 = arith.constant dense<0.000000e+00> : vector<64x128xf32>
      %dot_general3A_68 = tpu.matmul %div3A, %get3A_66, %dot_general3A_67 {dimension_numbers = #tpu.dot_dimension_numbers<[1], [0], [0], [1], [0, 0, 1, 1], [], []>, transpose_lhs_hint = false} : vector<64x128xf32>, vector<128x128xf32>, vector<64x128xf32> -> vector<64x128xf32>
      %get3A_69 = arith.constant 0 : index
      %get3A_70 = arith.constant 0 : index
      %get3A_71 = vector.load %arg7[%get3A_69, %get3A_70] : memref<1x128xf32, #tpu.memory_space<vmem>>, vector<1x128xf32>
      %add3A_72 = vector.broadcast %get3A_71 : vector<1x128xf32> to vector<64x128xf32>
      %add3A_73 = arith.addf %dot_general3A_68, %add3A_72 : vector<64x128xf32>
      %reduce_sum3A = arith.constant dense<0.000000e+00> : vector<64xf32>
      %reduce_sum3A_74 = vector.multi_reduction <add>, %add3A_73, %reduce_sum3A [1] : vector<64x128xf32> to vector<64xf32>
      %broadcast_in_dim3A_75 = vector.shape_cast %reduce_sum3A_74 : vector<64xf32> to vector<64x1xf32>
      %div3A_76 = arith.constant 1.280000e+02 : f32
      %div3A_77 = vector.broadcast %div3A_76 : f32 to vector<64x1xf32>
      %div3A_78 = arith.divf %broadcast_in_dim3A_75, %div3A_77 : vector<64x1xf32>
      %sub3A = vector.broadcast %div3A_78 : vector<64x1xf32> to vector<64x128xf32>
      %sub3A_79 = arith.subf %add3A_73, %sub3A : vector<64x128xf32>
      %integer_pow3A = arith.mulf %sub3A_79, %sub3A_79 : vector<64x128xf32>
      %reduce_sum3A_80 = arith.constant dense<0.000000e+00> : vector<64xf32>
      %reduce_sum3A_81 = vector.multi_reduction <add>, %integer_pow3A, %reduce_sum3A_80 [1] : vector<64x128xf32> to vector<64xf32>
      %broadcast_in_dim3A_82 = vector.shape_cast %reduce_sum3A_81 : vector<64xf32> to vector<64x1xf32>
      %div3A_83 = arith.constant 1.280000e+02 : f32
      %div3A_84 = vector.broadcast %div3A_83 : f32 to vector<64x1xf32>
      %div3A_85 = arith.divf %broadcast_in_dim3A_82, %div3A_84 : vector<64x1xf32>
      %sub3A_86 = vector.broadcast %div3A_78 : vector<64x1xf32> to vector<64x128xf32>
      %sub3A_87 = arith.subf %add3A_73, %sub3A_86 : vector<64x128xf32>
      %add3A_88 = arith.constant 9.99999974E-6 : f32
      %add3A_89 = vector.broadcast %add3A_88 : f32 to vector<64x1xf32>
      %add3A_90 = arith.addf %div3A_85, %add3A_89 : vector<64x1xf32>
      %rsqrt3A = math.rsqrt %add3A_90 : vector<64x1xf32>
      %mul3A_91 = vector.broadcast %rsqrt3A : vector<64x1xf32> to vector<64x128xf32>
      %mul3A_92 = arith.mulf %sub3A_87, %mul3A_91 : vector<64x128xf32>
      %get3A_93 = arith.constant 0 : index
      %get3A_94 = arith.constant 0 : index
      %get3A_95 = vector.load %arg8[%get3A_93, %get3A_94] : memref<1x128xf32, #tpu.memory_space<vmem>>, vector<1x128xf32>
      %mul3A_96 = vector.broadcast %get3A_95 : vector<1x128xf32> to vector<64x128xf32>
      %mul3A_97 = arith.mulf %mul3A_92, %mul3A_96 : vector<64x128xf32>
      %get3A_98 = arith.constant 0 : index
      %get3A_99 = arith.constant 0 : index
      %get3A_100 = vector.load %arg9[%get3A_98, %get3A_99] : memref<1x128xf32, #tpu.memory_space<vmem>>, vector<1x128xf32>
      %add3A_101 = vector.broadcast %get3A_100 : vector<1x128xf32> to vector<64x128xf32>
      %add3A_102 = arith.addf %mul3A_97, %add3A_101 : vector<64x128xf32>
      %swap3A_103 = arith.constant 0 : index
      %swap3A_104 = arith.constant 0 : index
      %swap3A_105 = vector.load %arg10[%swap3A_103, %swap3A_104] : memref<64x128xf32, #tpu.memory_space<vmem>>, vector<64x128xf32>
      tpu.vector_store %arg10[%swap3A_103, %swap3A_104], %add3A_102 {strides = array<i32>} : memref<64x128xf32, #tpu.memory_space<vmem>>, vector<64x128xf32>,
    } else {
    }
    return
  }
  func.func @transform_0(%arg0: i32) -> (i32, i32, i32) {
    %c0_i32 = arith.constant 0 : i32
    %c0_i32_0 = arith.constant 0 : i32
    %c0_i32_1 = arith.constant 0 : i32
    return %c0_i32, %arg0, %c0_i32_0 : i32, i32, i32
  }
  func.func @transform_1(%arg0: i32) -> (i32, i32) {
    %c0_i32 = arith.constant 0 : i32
    %c0_i32_0 = arith.constant 0 : i32
    return %arg0, %c0_i32 : i32, i32
  }
  func.func @transform_2(%arg0: i32) -> (i32, i32) {
    %c0_i32 = arith.constant 0 : i32
    %c0_i32_0 = arith.constant 0 : i32
    return %arg0, %c0_i32 : i32, i32
  }
  func.func @transform_3(%arg0: i32) -> (i32, i32) {
    %c0_i32 = arith.constant 0 : i32
    %c0_i32_0 = arith.constant 0 : i32
    %c0_i32_1 = arith.constant 0 : i32
    return %c0_i32, %c0_i32_0 : i32, i32
  }
  func.func @transform_4(%arg0: i32) -> (i32, i32) {
    %c0_i32 = arith.constant 0 : i32
    %c0_i32_0 = arith.constant 0 : i32
    return %arg0, %c0_i32 : i32, i32
  }
  func.func @transform_5(%arg0: i32) -> (i32, i32) {
    %c0_i32 = arith.constant 0 : i32
    %c0_i32_0 = arith.constant 0 : i32
    %c0_i32_1 = arith.constant 0 : i32
    return %c0_i32, %c0_i32_0 : i32, i32
  }
  func.func @transform_6(%arg0: i32) -> (i32, i32) {
    %c0_i32 = arith.constant 0 : i32
    %c0_i32_0 = arith.constant 0 : i32
    %c0_i32_1 = arith.constant 0 : i32
    return %c0_i32, %c0_i32_0 : i32, i32
  }
  func.func @transform_7(%arg0: i32) -> (i32, i32) {
    %c0_i32 = arith.constant 0 : i32
    %c0_i32_0 = arith.constant 0 : i32
    %c0_i32_1 = arith.constant 0 : i32
    return %c0_i32, %c0_i32_0 : i32, i32
  }
  func.func @transform_8(%arg0: i32) -> (i32, i32) {
    %c0_i32 = arith.constant 0 : i32
    %c0_i32_0 = arith.constant 0 : i32
    %c0_i32_1 = arith.constant 0 : i32
    return %c0_i32, %c0_i32_0 : i32, i32
  }
  func.func @transform_9(%arg0: i32) -> (i32, i32) {
    %c0_i32 = arith.constant 0 : i32
    %c0_i32_0 = arith.constant 0 : i32
    %c0_i32_1 = arith.constant 0 : i32
    return %c0_i32, %c0_i32_0 : i32, i32
  }
}

</mosaic_0001>

<sc_bundles>
// kernel: kernel.11.cloned.1.call-start
scs
__scs_entry_jumppad:
0x0: {  	(pc) =	sbr.rel $0x88, $3  }
0x1: {  	(tag) =	ssettag $0x0;
	lr =	simm.s32 $0x1  }
0x2: {  	[smem:$0x3F96] =	sst lr;
	_ =	strace $0xD0000000  }
0x3: {  	_ = 	snop  }
0x4: {  	_ = 	snop  }
0x5: {  	_ = 	snop  }
0x6: {  	_ = 	snop  }
0x7: {  	_ = 	snop  }
__scs_overlays_trampoline_lowered:
0x8: {  	[smem:$0x3FA5] =	sst s0  }
0x9: {  	[smem:$0x3FA6] =	sst s1  }
0xa: {  	[smem:$0x3FA7] =	sst s2  }
0xb: {  	[smem:$0x3FA8] =	sst s3  }
0xc: {  	[smem:$0x3FA9] =	sst s4  }
0xd: {  	[smem:$0x3FAA] =	sst s5  }
0xe: {  	[smem:$0x3FAB] =	sst s6  }
0xf: {  	[smem:$0x3FAC] =	sst s7  }
0x10: {  	[smem:$0x3FAD] =	sst s8  }
0x11: {  	[smem:$0x3FAE] =	sst s9;
	s0 =	simm.s32 @!p0 $0x0  }
0x12: {  	s1 =	sld [smem:$0x3F94];
	s0 =	simm.s32 @p0 $0x1  }
0x13: {  	[smem:$0x3FAF] =	sst s0;
	s0 =	simm.s32 @!p1 $0x0  }
0x14: {  	s2 =	sld [smem:$0x3F93];
	s0 =	simm.s32 @p1 $0x1  }
0x15: {  	[smem:$0x3FB0] =	sst s0;
	s0 =	simm.s32 @!p2 $0x0  }
0x16: {  	s3 =	sld [smem:$0x3FDB];
	s0 =	simm.s32 @p2 $0x1  }
0x17: {  	s4 =	simm.s32 $0x1BF5;
	[smem:$0x3FB2] =	sst s0  }
0x18: {  	s0 =	sld [smem:$0x3F95];
	_ =	swait.ge [sflag:s4], $0x0  }
0x19: {  	s7 =	sld [smem:$0x3F96]  }
0x1a: {  	s8 =	sadd.s32 $0xFFFFE003, lr  }
0x1b: {  	s9 =	sadd.s32 $0xFFFFFEF7, lr;
	s5 =	simm.s32 $0xFFFFFFFF;
	p2 =	slt.u32 s8, $0xFFFFF086  }
0x1c: {  	p1 =	slt.u32 s9, $0xF7A;
	s5 =	simm.s32 @!p2 $0x0  }
0x1d: {  	s5 =	simm.s32 @p1 $0x1;
	p0 =	seq.s32 s7, s2  }
0x1e: {  	s7 =	smul.u32 @!p0 $0xF7A, s2;
	p2 =	seq.s32 @!p0 s5, $0x0  }
0x1f: {  	s9 =	smul.u32 $0xF7A, s1;
	s8 =	simm.s32 @!p0 $0x1BF5;
	p2 =	por !p2, p0  }
0x20: {  	[sflag:s8] =	ssyncset.s32 @!p0 $0xFFFFF086;
	s6 =	sadd.s32 @!p0 s3, s7;
	s7 =	simm.s32 @!p0 $0x108  }
0x21: {  	s3 =	sadd.s32 s3, s9;
	s6 =	sadd.s32 @!p0 $0x88, s6;
	s7 =	simm.s32 @p2 $0x1082  }
0x22: {  	[simem:s7], [sflag:s8] =	dma.local @!p0 [hbm:s6], $0xF7A  }
0x23: {  	s9 =	sor.u32 $0xD0000000, s2;
	s6 =	simm.s32 $0x108;
	_ =	swait.ge @!p0 [sflag:s8], $0x0  }
0x24: {  	s3 =	sadd.s32 $0x88, s3;
	s6 =	simm.s32 @!p1 $0x1082;
	[sflag:s4] =	ssyncset.s32 $0xFFFFF086  }
0x25: {  	[simem:s6], [sflag:s4] =	dma.local [hbm:s3], $0xF7A  }
0x26: {  	[smem:$0x3F96] =	sst s1;
	(tag) =	ssettag s2;
	_ =	strace s9  }
0x27: {  	s1 =	sld [smem:$0x3FA6]  }
0x28: {  	s2 =	sld [smem:$0x3FA7]  }
0x29: {  	s4 =	sld [smem:$0x3FA9]  }
0x2a: {  	p0 =	seq.s32 s5, $0x0;
	s5 =	sld [smem:$0x3FAA]  }
0x2b: {  	s6 =	sld [smem:$0x3FAB]  }
0x2c: {  	s7 =	sld [smem:$0x3FAC]  }
0x2d: {  	s3 =	simm.s32 $0x108;
	s8 =	sld [smem:$0x3FAD]  }
0x2e: {  	s3 =	simm.s32 @!p0 $0x1082;
	s9 =	sld [smem:$0x3FAE]  }
0x2f: {  	lr =	sadd.s32 s0, s3;
	s0 =	sld [smem:$0x3FA5]  }
0x30: {  	s3 =	sld [smem:$0x3FA8]  }
0x31: {  	[smem:$0x3FB1] =	sst s10  }
0x32: {  	s10 =	sld [smem:$0x3FAF];
	_ =	sdelay $0x3  }
0x33: {  	p0 =	seq.s32 s10, $0x1;
	s10 =	sld [smem:$0x3FB1];
	_ =	sdelay $0x3  }
0x34: {  	[smem:$0x3FB1] =	sst s10  }
0x35: {  	s10 =	sld [smem:$0x3FB0];
	_ =	sdelay $0x3  }
0x36: {  	p1 =	seq.s32 s10, $0x1;
	s10 =	sld [smem:$0x3FB1];
	_ =	sdelay $0x3  }
0x37: {  	[smem:$0x3FB1] =	sst s10  }
0x38: {  	s10 =	sld [smem:$0x3FB2]  }
0x39: {  	_ = 	snop;
	(pc) =	sbr.ind lr, $3  }
0x3a: {  	_ = 	snop  }
0x3b: {  	_ = 	snop  }
0x3c: {  	p2 =	seq.s32 s10, $0x1;
	s10 =	sld [smem:$0x3FB1]  }
0x3d: {  	_ =	shalt  }
0x3e: {  	_ =	shalt  }
0x3f: {  	_ =	shalt  }
0x40: {  	_ =	shalt  }
0x41: {  	_ =	shalt  }
0x42: {  	_ =	shalt  }
0x43: {  	_ =	shalt  }
0x44: {  	_ =	shalt  }
0x45: {  	_ =	shalt  }
0x46: {  	_ =	shalt  }
0x47: {  	_ =	shalt  }
0x48: {  	_ =	shalt  }
0x49: {  	_ =	shalt  }
0x4a: {  	_ =	shalt  }
0x4b: {  	_ =	shalt  }
0x4c: {  	_ =	shalt  }
0x4d: {  	_ =	shalt  }
0x4e: {  	_ =	shalt  }
0x4f: {  	_ =	shalt  }
0x50: {  	_ =	shalt  }
0x51: {  	_ =	shalt  }
0x52: {  	_ =	shalt  }
0x53: {  	_ =	shalt  }
0x54: {  	_ =	shalt  }
0x55: {  	_ =	shalt  }
0x56: {  	_ =	shalt  }
0x57: {  	_ =	shalt  }
0x58: {  	_ =	shalt  }
0x59: {  	_ =	shalt  }
0x5a: {  	_ =	shalt  }
0x5b: {  	_ =	shalt  }
0x5c: {  	_ =	shalt  }
0x5d: {  	_ =	shalt  }
0x5e: {  	_ =	shalt  }
0x5f: {  	_ =	shalt  }
0x60: {  	_ =	shalt  }
0x61: {  	_ =	shalt  }
0x62: {  	_ =	shalt  }
0x63: {  	_ =	shalt  }
0x64: {  	_ =	shalt  }
0x65: {  	_ =	shalt  }
0x66: {  	_ =	shalt  }
0x67: {  	_ =	shalt  }
0x68: {  	_ =	shalt  }
0x69: {  	_ =	shalt  }
0x6a: {  	_ =	shalt  }
0x6b: {  	_ =	shalt  }
0x6c: {  	_ =	shalt  }
0x6d: {  	_ =	shalt  }
0x6e: {  	_ =	shalt  }
0x6f: {  	_ =	shalt  }
0x70: {  	_ =	shalt  }
0x71: {  	_ =	shalt  }
0x72: {  	_ =	shalt  }
0x73: {  	_ =	shalt  }
0x74: {  	_ =	shalt  }
0x75: {  	_ =	shalt  }
0x76: {  	_ =	shalt  }
0x77: {  	_ =	shalt  }
0x78: {  	_ =	shalt  }
0x79: {  	_ =	shalt  }
0x7a: {  	_ =	shalt  }
0x7b: {  	_ =	shalt  }
0x7c: {  	_ =	shalt  }
0x7d: {  	_ =	shalt  }
0x7e: {  	_ =	shalt  }
0x7f: {  	_ =	shalt  }
0x80: {  	_ =	shalt  }
0x81: {  	_ =	shalt  }
0x82: {  	_ =	shalt  }
0x83: {  	_ =	shalt  }
0x84: {  	_ =	shalt  }
0x85: {  	_ =	shalt  }
0x86: {  	_ =	shalt  }
0x87: {  	_ =	shalt  }
.Lfunc_end0:
.L_simem_size_0:
called_computation.1_lowered:
.L_overlay_start_0:
0x88: {  	s2 =	sld [smem:$0x3FD9]  }
0x89: {  	s3 =	sld [smem:$0x3FFE];
	_ =	sdelay $0x1  }
0x8a: {  	s1 =	srdreg.scid  }
0x8b: {  	s0 =	sand.u32 $0x1, s1  }
0x8c: {  	s16 =	sshll.u32 s0, $0xA;
	s2 =	sadd.s32 s3, s2  }
0x8d: {  	s2 =	sadd.s32 s2, s16  }
0x8e: {  	[smem:$0x3FBD] =	sst s2  }
0x8f: {  	_ = 	snop  }
0x90: {  	(tm) =	ssettm $0x1  }
0x91: {  	s17 =	sld [smem:$0x3FFB];
	_ =	sdelay $0x3  }
0x92: {  	_ =	strace s17  }
0x93: {  	s2 =	sld [smem:$0x3FFC];
	_ =	sdelay $0x3  }
0x94: {  	_ =	strace s2  }
0x95: {  	s2 =	sld [smem:$0x3FFD];
	_ =	sdelay $0x3  }
0x96: {  	_ =	strace s2  }
0x97: {  	_ =	strace $0x8FFFFFFF  }
0x98: {  	s18 =	sld [smem:$0x3FDB];
	_ =	sdelay $0x1  }
0x99: {  	s19 =	simm.s32 $_scs_section_size  }
0x9a: {  	s4 =	simm.s32 $_size__tile_overlayer_lowered;
	s5 =	simm.s32 $_tile_overlayer_lowered  }
0x9b: {  	s22 =	simm.s32 $0x1BFF;
	s21 =	sshll.u32 s5, $0x1;
	s2 =	sadd.s32 s19, s18  }
0x9c: {  	s6 =	simm.s32 $0x0;
	s20 =	sshll.u32 s4, $0x1;
	s4 =	sadd.s32 s21, s2  }
0x9d: {  	[timem:s6], [sflag:s22] =	dma.local [hbm:s4], s20  }
0x9e: {  	_ =	swait.ge [sflag:s22], s20  }
0x9f: {  	s3 =	ssub.s32 $0x0, s20;
	[sflag:s22] =	ssyncset.done $0x0  }
0xa0: {  	[sflag:s22] =	ssyncadd.s32 s3;
	_ =	sdelay $0x1  }
0xa1: {  	s23 =	simm.s32 $0x1B8B  }
0xa2: {  	_ =	swait.ge [sflag:s23], $0x1  }
0xa3: {  	[sflag:s23] =	ssyncset.done $0x0  }
0xa4: {  	s25 =	simm.s32 $0x1B8E;
	s24 =	sld [smem:$0x3FFE];
	[sflag:s23] =	ssyncadd.s32 $0xFFFFFFFF  }
0xa5: {  	s26 =	simm.s32 $execute0_lowered;
	[smem:$0x3FD2] =	sst s25  }
0xa6: {  	s4 =	sshll.u32 s26, $0x1;
	_ =	strace $0x80000049;
	[dreg:$0x1] =	wrdreg $0xFFFFFFFF  }
0xa7: {  	s28 =	simm.s32 $_size_execute0_lowered;
	s2 =	sadd.s32 s2, s4;
	[dreg:$0x0] =	wrdreg $0x0  }
0xa8: {  	s4 =	sshll.u32 s28, $0x1;
	[dreg:$0x2] =	wrdreg s2  }
0xa9: {  	[dreg:$0x3] =	wrdreg s4  }
0xaa: {  	[dreg:$0x4] =	wrdreg $0xC0  }
0xab: {  	_ =	task [dreg:s6], $0x5FFFF  }
0xac: {  	[dreg:$0x1] =	wrdreg $0xFFFFFFFF  }
0xad: {  	[dreg:$0x0] =	wrdreg $0x60  }
0xae: {  	[dreg:$0x2] =	wrdreg s24  }
0xaf: {  	[dreg:$0x3] =	wrdreg $0x41000  }
0xb0: {  	[dreg:$0x4] =	wrdreg $0x9  }
0xb1: {  	_ =	task.clear_ibuf [dreg:s6], $0x5FFFF;
	_ =	strace $0x90000049  }
0xb2: {  	s29 =	simm.s32 $0x9;
	_ =	strace $0x8000004B  }
0xb3: {  	_ =	swait.ge [sflag:s29], $0x1  }
0xb4: {  	[sflag:s29] =	ssyncadd.s32 $0xFFFFFFFF  }
0xb5: {  	_ =	strace $0x9000004B  }
0xb6: {  	_ =	sfence  }
0xb7: {  	s30 =	sld [smem:$0x0];
	_ =	sdelay $0x2  }
0xb8: {  	s31 =	sshll.u32 s1, $0xD;
	s1 =	sshrl.u32 s1, $0x2  }
0xb9: {  	s3 =	sand.u32 $0x4000, s31;
	s1 =	sadd.s32 s1, s30  }
0xba: {  	s0 =	sor.u32 s3, s0;
	s1 =	sshll.u32 s1, $0x11  }
0xbb: {  	s0 =	sor.u32 s1, s0  }
0xbc: {  	s0 =	sadd.s32 $0x8F2B, s0  }
0xbd: {  	[sflag:s0] =	ssyncadd.remote.s32 $0x1  }
0xbe: {  	_ =	sfence.sel $0xFFFF  }
0xbf: {  	[dreg:$0x0] =	wrdreg $0xFFFFFFFF;
	(pc) =	sbr.abs _section_cstart, $3  }
0xc0: {  	[dreg:$0x1] =	wrdreg $0xFFFFFFFF  }
0xc1: {  	_ =	task.clear_ibuf [dreg:s6], $0x2FFFF;
	_ =	strace $0x9FFFFFFF  }
0xc2: {  	(tm) =	ssettm $0x7FFFFFFF  }
0xc3: {  	_ =	shalt  }
tec
execute0_lowered:
.L_overlay_start_1:
0x0: {  	(tag) =	ssettag $0x1  }
0x1: {  	s5 =	rddreg [dreg:$0x0]  }
0x2: {  	s2 =	rddreg [dreg:$0x1]  }
0x3: {  	s0 =	rddreg [dreg:$0x2]  }
0x4: {  	s1 =	stileid.u32;
	s4 =	srdreg.scid  }
0x5: {  	s3 =	simm.s32 $0x0;
	s16 =	simm.s32 $0x100;
	s17 =	simm.s32 $0x2  }
0x6: {  	s18 =	simm.s32 $0x80;
	s19 =	simm.s32 $0x1;
	s6 =	smul.u32 $0x30, s1  }
0x7: {  	s20 =	simm.s32 $0x0;
	s7 =	sand.u32 $0x1, s4;
	s4 =	smul.u32 $0x6E, s1  }
0x8: {  	[smem:$0x7FF] =	sst s3;
	s8 =	smul.u32 $0x50000, s1;
	s11 =	sadd.s32 $0x3DE00, s5  }
0x9: {  	s13 =	smul.u32 $0x14000, s1;
	p0 =	seq.s32 s7, $0x0;
	_ =	strace $0x8000004A  }
0xa: {  	s9 =	ssub.s32 $0x2, s7;
	s12 =	smul.u32 $0x138800, s7;
	s6 =	sadd.s32 $0x6E0, s6  }
0xb: {  	s10 =	sshrl.u32 s9, $0x1;
	s30 =	sshrl.u32 s8, $0x2;
	s6 =	smov.u32 @p0 s4  }
0xc: {  	s4 =	sadd.s32 $0x16C00, s5;
	s14 =	ssub.s32 s9, s10;
	s31 =	sadd.s32 s13, s12  }
0xd: {  	s12 =	sshrl.u32 s12, $0x3;
	s6 =	sshll.u32 s6, $0x4;
	s13 =	sshrl.u32 s31, $0x3  }
0xe: {  	s12 =	sadd.s32 s11, s12;
	s15 =	sadd.s32 s6, s5;
	s5 =	simm.s32 $0x6E  }
0xf: {  	s6 =	sadd.s32 s30, s2;
	s11 =	sadd.s32 s11, s13;
	s12 =	sadd.s32 $0x25800, s12  }
0x10: {  	s13 =	smax.u32 s14, $0x1;
	s5 =	simm.s32 @!p0 $0x30;
	s7 =	sadd.s32 $0x4000, s6  }
0x11: {  	s8 =	sadd.s32 $0x8000, s6;
	s9 =	sadd.s32 $0xC000, s6;
	s10 =	sadd.s32 $0x10000, s6  }
0x12: {  	v0 =	vimm.f32 $0.0e+00;
	s14 =	sadd.s32 $0x2600, s15;
	s15 =	sadd.s32 $0xCE00, s15;
	p0 =	seq.s32 s1, $0xF  }
.LBB2_1:
0x13: {  	s21 =	simm.s32 $0x0;
	s22 =	simm.s32 $0x200  }
.LBB2_2:
0x14: {  	p1 =	sne.s32 s22, $0xFE00;
	[tilespmem:s21+$0x170] =	vst v0  }
0x15: {  	[tilespmem:s21+$0x100] =	vst v0  }
0x16: {  	[tilespmem:s21+$0x110] =	vst v0  }
.Ltmp0:
0x17: {  	[tilespmem:s21+$0x120] =	vst v0;
	(pc) =	sbr.rel @p1 .LBB2_2-.Ltmp0, $4  }
0x18: {  	[tilespmem:s21+$0x130] =	vst v0  }
0x19: {  	[tilespmem:s21+$0x140] =	vst v0  }
0x1a: {  	[tilespmem:s21+$0x150] =	vst v0  }
0x1b: {  	[tilespmem:s21+$0x160] =	vst v0;
	s21 =	sshra.s32 s22, $0x2;
	s22 =	sadd.s32 $0x200, s22  }
0x1c: {  	[tilespmem:s21+$0x170] =	vst v0  }
0x1d: {  	[tilespmem:s21+$0x100] =	vst v0  }
0x1e: {  	[tilespmem:s21+$0x110] =	vst v0  }
0x1f: {  	[tilespmem:s21+$0x120] =	vst v0  }
0x20: {  	[tilespmem:s21+$0x130] =	vst v0  }
0x21: {  	[tilespmem:s21+$0x140] =	vst v0  }
0x22: {  	[tilespmem:s21+$0x150] =	vst v0  }
0x23: {  	[tilespmem:s21+$0x160] =	vst v0  }
0x24: {  	[spmem:s6] =	stream.linear.scatter [tilespmem:s16], [sflag:$0x2], $0x4000, $0x38;
	[tilespmem:$0x18100] =	vst v63  }
0x25: {  	_ =	swait.ge [sflag:s17], $0x4000  }
0x26: {  	[sflag:s17] =	ssyncset.done $0x0  }
0x27: {  	[sflag:s17] =	ssyncadd.s32 $0xFFFFC000  }
0x28: {  	[spmem:s7] =	stream.linear.scatter [tilespmem:s16], [sflag:$0x2], $0x4000, $0x38;
	[tilespmem:$0x18100] =	vst v63  }
0x29: {  	_ =	swait.ge [sflag:s17], $0x4000  }
0x2a: {  	[sflag:s17] =	ssyncset.done $0x0  }
0x2b: {  	[sflag:s17] =	ssyncadd.s32 $0xFFFFC000  }
0x2c: {  	[spmem:s8] =	stream.linear.scatter [tilespmem:s16], [sflag:$0x2], $0x4000, $0x38;
	[tilespmem:$0x18100] =	vst v63  }
0x2d: {  	_ =	swait.ge [sflag:s17], $0x4000  }
0x2e: {  	[sflag:s17] =	ssyncset.done $0x0  }
0x2f: {  	[sflag:s17] =	ssyncadd.s32 $0xFFFFC000  }
0x30: {  	[spmem:s9] =	stream.linear.scatter [tilespmem:s16], [sflag:$0x2], $0x4000, $0x38;
	[tilespmem:$0x18100] =	vst v63  }
0x31: {  	_ =	swait.ge [sflag:s17], $0x4000  }
0x32: {  	[sflag:s17] =	ssyncset.done $0x0  }
0x33: {  	[sflag:s17] =	ssyncadd.s32 $0xFFFFC000  }
0x34: {  	[spmem:s10] =	stream.linear.scatter [tilespmem:s16], [sflag:$0x2], $0x4000, $0x38;
	[tilespmem:$0x18100] =	vst v63  }
0x35: {  	_ =	swait.ge [sflag:s17], $0x4000  }
0x36: {  	[sflag:s17] =	ssyncset.done $0x0  }
0x37: {  	[sflag:s17] =	ssyncadd.s32 $0xFFFFC000  }
0x38: {  	[bflag:$0x0] =	sbarrier.arrive $0xFFFF  }
0x39: {  	[tilespmem:s3], [sflag:$0x2] =	stream.linear.gather [hbm4b:s15+s3], $0x80, $0x38;
	[tilespmem:$0x18100] =	vst v63  }
0x3a: {  	_ =	swait.ge [sflag:s17], $0x80  }
0x3b: {  	[sflag:s17] =	ssyncset.done $0x0  }
0x3c: {  	[sflag:s17] =	ssyncadd.s32 $0xFFFFFF80  }
0x3d: {  	[tilespmem:s18], [sflag:$0x2] =	stream.linear.gather [hbm4b:s14+s3], $0x80, $0x38;
	[tilespmem:$0x18100] =	vst v63  }
0x3e: {  	_ =	swait.ge [sflag:s17], $0x80  }
0x3f: {  	[sflag:s17] =	ssyncset.done $0x0  }
0x40: {  	[sflag:s17] =	ssyncadd.s32 $0xFFFFFF80  }
0x41: {  	[tilespmem:s16], [sflag:$0x1] =	stream.indirect.gather [hbm4b:s4+s18], $0x80, s3, s18, $0xb8;
	[tilespmem:$0x18100] =	vst v63  }
0x42: {  	p1 =	sne.s32 s5, $0x1;
	_ =	swait.ge [sflag:s19], $0x4000  }
.Ltmp1:
0x43: {  	[sflag:s19] =	ssyncset.done $0x0;
	(pc) =	sbr.rel @!p1 .LBB2_5-.Ltmp1, $4  }
0x44: {  	[sflag:s19] =	ssyncadd.s32 $0xFFFFC000  }
0x45: {  	[spmem:s2] =	stream.indirect.scatter.add.f32 [tilespmem:s16], [sflag:$0x2], $0x80, s18, s18, $0xb8;
	[tilespmem:$0x18100] =	vst v63  }
0x46: {  	s21 =	sadd.s32 $0xFFFFFFFF, s5;
	_ =	swait.ge [sflag:s17], $0x4000  }
0x47: {  	s22 =	smov.u32 s14;
	s23 =	smov.u32 s15;
	[sflag:s17] =	ssyncset.done $0x0  }
.LBB2_4:
0x48: {  	[sflag:s17] =	ssyncadd.s32 $0xFFFFC000;
	s22 =	sadd.s32 $0x10, s22;
	s23 =	sadd.s32 $0x10, s23  }
0x49: {  	[tilespmem:s3], [sflag:$0x2] =	stream.linear.gather [hbm4b:s23+s3], $0x80, $0x38;
	[tilespmem:$0x18100] =	vst v63  }
0x4a: {  	p1 =	sne.s32 s21, $0x1;
	s21 =	sadd.s32 $0xFFFFFFFF, s21;
	_ =	swait.ge [sflag:s17], $0x80  }
0x4b: {  	[sflag:s17] =	ssyncset.done $0x0  }
0x4c: {  	[sflag:s17] =	ssyncadd.s32 $0xFFFFFF80  }
0x4d: {  	[tilespmem:s18], [sflag:$0x2] =	stream.linear.gather [hbm4b:s22+s3], $0x80, $0x38;
	[tilespmem:$0x18100] =	vst v63  }
0x4e: {  	_ =	swait.ge [sflag:s17], $0x80  }
0x4f: {  	[sflag:s17] =	ssyncset.done $0x0  }
0x50: {  	[sflag:s17] =	ssyncadd.s32 $0xFFFFFF80  }
0x51: {  	[tilespmem:s16], [sflag:$0x1] =	stream.indirect.gather [hbm4b:s4+s18], $0x80, s3, s18, $0xb8;
	[tilespmem:$0x18100] =	vst v63  }
0x52: {  	_ =	swait.ge [sflag:s19], $0x4000  }
.Ltmp2:
0x53: {  	[sflag:s19] =	ssyncset.done $0x0;
	(pc) =	sbr.rel @p1 .LBB2_4-.Ltmp2, $4  }
0x54: {  	[sflag:s19] =	ssyncadd.s32 $0xFFFFC000  }
0x55: {  	[spmem:s2] =	stream.indirect.scatter.add.f32 [tilespmem:s16], [sflag:$0x2], $0x80, s18, s18, $0xb8;
	[tilespmem:$0x18100] =	vst v63  }
0x56: {  	_ =	swait.ge [sflag:s17], $0x4000  }
0x57: {  	[sflag:s17] =	ssyncset.done $0x0  }
.LBB2_5:
0x58: {  	[sflag:s17] =	ssyncadd.s32 $0xFFFFC000  }
0x59: {  	s21 =	sshrl.u32 @p0 s6, $0x3;
	s22 =	simm.s32 @p0 $0x1FC2;
	[bflag:$0x0] =	sbarrier.arrive $0xFFFF  }
0x5a: {  	[hbm:s12], [sflag:s22] =	dma.local @p0 [spmem:s21], $0x1900  }
0x5b: {  	s21 =	simm.s32 @p0 $0x2  }
0x5c: {  	s20 =	sadd.s32 $0x1, s20;
	_ =	swait.ge @p0 [sflag:s21], $0x1900  }
0x5d: {  	p1 =	sne.s32 s20, s13;
	s22 =	sshll.u32 @!p0 s1, $0x6;
	[sflag:s21] =	ssyncset.done @p0 $0x0  }
0x5e: {  	[sflag:s21] =	ssyncadd.s32 @p0 $0xFFFFE700;
	s21 =	sor.u32 @!p0 $0x1C02, s22;
	s22 =	sshrl.u32 @!p0 s6, $0x3  }
0x5f: {  	[hbm:s11], [sflag:s21] =	dma.local @!p0 [spmem:s22], $0x2800  }
.Ltmp3:
0x60: {  	_ = 	snop;
	(pc) =	sbr.rel @p1 .LBB2_1-.Ltmp3, $4  }
0x61: {  	s21 =	simm.s32 @!p0 $0x2  }
0x62: {  	_ =	swait.ge @!p0 [sflag:s21], $0x2800  }
0x63: {  	[sflag:s21] =	ssyncset.done @!p0 $0x0  }
0x64: {  	[sflag:s21] =	ssyncadd.s32 @!p0 $0xFFFFD800  }
0x65: {  	_ =	sfence.sel $0x180000  }
0x66: {  	[bflag:$0x0] =	sbarrier.arrive $0xFFFF  }
0x67: {  	p0 =	sne.s32 s1, $0x0;
	_ =	strace $0x9000004A  }
0x68: {  	s0 =	sadd.s32 @!p0 $0x100000, s0;
	[bflag:$0x2] =	sbarrier.arrive $0xFFFF  }
0x69: {  	[sflag:s0] =	ssyncadd.tile.s32 @!p0 $0x1;
	_ =	shalt  }
.Lfunc_end2:
_tile_overlayer_lowered:
.L_overlay_start_2:
0x6a: {  	(tag) =	ssettag $0x2  }
0x6b: {  	s0 =	rddreg [dreg:$0x0];
	s2 =	stileid.u32  }
0x6c: {  	s1 =	rddreg [dreg:$0x1];
	p0 =	sne.s32 s2, $0x0  }
0x6d: {  	s3 =	rddreg [dreg:$0x2];
	[bflag:$0x3] =	sbarrier.arrive $0xFFFF;
	s2 =	simm.s32 @!p0 $0x1C02  }
0x6e: {  	[timem:s3], [sflag:s2] =	dma.local @!p0 [hbm:s0], s1  }
0x6f: {  	s0 =	simm.s32 @!p0 $0x2  }
0x70: {  	_ =	swait.ge @!p0 [sflag:s0], s1  }
0x71: {  	s1 =	ssub.s32 @!p0 $0x0, s1;
	[sflag:s0] =	ssyncset.done @!p0 $0x0  }
0x72: {  	[sflag:s0] =	ssyncadd.s32 @!p0 s1  }
0x73: {  	[bflag:$0x3] =	sbarrier.arrive $0xFFFF  }
0x74: {  	_ =	shalt  }

// kernel: kernel.14.cloned.1.call-start
scs
__scs_entry_jumppad:
0x0: {  	(pc) =	sbr.rel $0x88, $3  }
0x1: {  	(tag) =	ssettag $0x0;
	lr =	simm.s32 $0x1  }
0x2: {  	[smem:$0x3F96] =	sst lr;
	_ =	strace $0xD0000000  }
0x3: {  	_ = 	snop  }
0x4: {  	_ = 	snop  }
0x5: {  	_ = 	snop  }
0x6: {  	_ = 	snop  }
0x7: {  	_ = 	snop  }
__scs_overlays_trampoline_lowered:
0x8: {  	[smem:$0x3FA5] =	sst s0  }
0x9: {  	[smem:$0x3FA6] =	sst s1  }
0xa: {  	[smem:$0x3FA7] =	sst s2  }
0xb: {  	[smem:$0x3FA8] =	sst s3  }
0xc: {  	[smem:$0x3FA9] =	sst s4  }
0xd: {  	[smem:$0x3FAA] =	sst s5  }
0xe: {  	[smem:$0x3FAB] =	sst s6  }
0xf: {  	[smem:$0x3FAC] =	sst s7  }
0x10: {  	[smem:$0x3FAD] =	sst s8  }
0x11: {  	[smem:$0x3FAE] =	sst s9;
	s0 =	simm.s32 @!p0 $0x0  }
0x12: {  	s1 =	sld [smem:$0x3F94];
	s0 =	simm.s32 @p0 $0x1  }
0x13: {  	[smem:$0x3FAF] =	sst s0;
	s0 =	simm.s32 @!p1 $0x0  }
0x14: {  	s2 =	sld [smem:$0x3F93];
	s0 =	simm.s32 @p1 $0x1  }
0x15: {  	[smem:$0x3FB0] =	sst s0;
	s0 =	simm.s32 @!p2 $0x0  }
0x16: {  	s3 =	sld [smem:$0x3FDB];
	s0 =	simm.s32 @p2 $0x1  }
0x17: {  	s4 =	simm.s32 $0x1BF5;
	[smem:$0x3FB2] =	sst s0  }
0x18: {  	s0 =	sld [smem:$0x3F95];
	_ =	swait.ge [sflag:s4], $0x0  }
0x19: {  	s7 =	sld [smem:$0x3F96]  }
0x1a: {  	s8 =	sadd.s32 $0xFFFFE003, lr  }
0x1b: {  	s9 =	sadd.s32 $0xFFFFFEF7, lr;
	s5 =	simm.s32 $0xFFFFFFFF;
	p2 =	slt.u32 s8, $0xFFFFF086  }
0x1c: {  	p1 =	slt.u32 s9, $0xF7A;
	s5 =	simm.s32 @!p2 $0x0  }
0x1d: {  	s5 =	simm.s32 @p1 $0x1;
	p0 =	seq.s32 s7, s2  }
0x1e: {  	s7 =	smul.u32 @!p0 $0xF7A, s2;
	p2 =	seq.s32 @!p0 s5, $0x0  }
0x1f: {  	s9 =	smul.u32 $0xF7A, s1;
	s8 =	simm.s32 @!p0 $0x1BF5;
	p2 =	por !p2, p0  }
0x20: {  	[sflag:s8] =	ssyncset.s32 @!p0 $0xFFFFF086;
	s6 =	sadd.s32 @!p0 s3, s7;
	s7 =	simm.s32 @!p0 $0x108  }
0x21: {  	s3 =	sadd.s32 s3, s9;
	s6 =	sadd.s32 @!p0 $0x88, s6;
	s7 =	simm.s32 @p2 $0x1082  }
0x22: {  	[simem:s7], [sflag:s8] =	dma.local @!p0 [hbm:s6], $0xF7A  }
0x23: {  	s9 =	sor.u32 $0xD0000000, s2;
	s6 =	simm.s32 $0x108;
	_ =	swait.ge @!p0 [sflag:s8], $0x0  }
0x24: {  	s3 =	sadd.s32 $0x88, s3;
	s6 =	simm.s32 @!p1 $0x1082;
	[sflag:s4] =	ssyncset.s32 $0xFFFFF086  }
0x25: {  	[simem:s6], [sflag:s4] =	dma.local [hbm:s3], $0xF7A  }
0x26: {  	[smem:$0x3F96] =	sst s1;
	(tag) =	ssettag s2;
	_ =	strace s9  }
0x27: {  	s1 =	sld [smem:$0x3FA6]  }
0x28: {  	s2 =	sld [smem:$0x3FA7]  }
0x29: {  	s4 =	sld [smem:$0x3FA9]  }
0x2a: {  	p0 =	seq.s32 s5, $0x0;
	s5 =	sld [smem:$0x3FAA]  }
0x2b: {  	s6 =	sld [smem:$0x3FAB]  }
0x2c: {  	s7 =	sld [smem:$0x3FAC]  }
0x2d: {  	s3 =	simm.s32 $0x108;
	s8 =	sld [smem:$0x3FAD]  }
0x2e: {  	s3 =	simm.s32 @!p0 $0x1082;
	s9 =	sld [smem:$0x3FAE]  }
0x2f: {  	lr =	sadd.s32 s0, s3;
	s0 =	sld [smem:$0x3FA5]  }
0x30: {  	s3 =	sld [smem:$0x3FA8]  }
0x31: {  	[smem:$0x3FB1] =	sst s10  }
0x32: {  	s10 =	sld [smem:$0x3FAF];
	_ =	sdelay $0x3  }
0x33: {  	p0 =	seq.s32 s10, $0x1;
	s10 =	sld [smem:$0x3FB1];
	_ =	sdelay $0x3  }
0x34: {  	[smem:$0x3FB1] =	sst s10  }
0x35: {  	s10 =	sld [smem:$0x3FB0];
	_ =	sdelay $0x3  }
0x36: {  	p1 =	seq.s32 s10, $0x1;
	s10 =	sld [smem:$0x3FB1];
	_ =	sdelay $0x3  }
0x37: {  	[smem:$0x3FB1] =	sst s10  }
0x38: {  	s10 =	sld [smem:$0x3FB2]  }
0x39: {  	_ = 	snop;
	(pc) =	sbr.ind lr, $3  }
0x3a: {  	_ = 	snop  }
0x3b: {  	_ = 	snop  }
0x3c: {  	p2 =	seq.s32 s10, $0x1;
	s10 =	sld [smem:$0x3FB1]  }
0x3d: {  	_ =	shalt  }
0x3e: {  	_ =	shalt  }
0x3f: {  	_ =	shalt  }
0x40: {  	_ =	shalt  }
0x41: {  	_ =	shalt  }
0x42: {  	_ =	shalt  }
0x43: {  	_ =	shalt  }
0x44: {  	_ =	shalt  }
0x45: {  	_ =	shalt  }
0x46: {  	_ =	shalt  }
0x47: {  	_ =	shalt  }
0x48: {  	_ =	shalt  }
0x49: {  	_ =	shalt  }
0x4a: {  	_ =	shalt  }
0x4b: {  	_ =	shalt  }
0x4c: {  	_ =	shalt  }
0x4d: {  	_ =	shalt  }
0x4e: {  	_ =	shalt  }
0x4f: {  	_ =	shalt  }
0x50: {  	_ =	shalt  }
0x51: {  	_ =	shalt  }
0x52: {  	_ =	shalt  }
0x53: {  	_ =	shalt  }
0x54: {  	_ =	shalt  }
0x55: {  	_ =	shalt  }
0x56: {  	_ =	shalt  }
0x57: {  	_ =	shalt  }
0x58: {  	_ =	shalt  }
0x59: {  	_ =	shalt  }
0x5a: {  	_ =	shalt  }
0x5b: {  	_ =	shalt  }
0x5c: {  	_ =	shalt  }
0x5d: {  	_ =	shalt  }
0x5e: {  	_ =	shalt  }
0x5f: {  	_ =	shalt  }
0x60: {  	_ =	shalt  }
0x61: {  	_ =	shalt  }
0x62: {  	_ =	shalt  }
0x63: {  	_ =	shalt  }
0x64: {  	_ =	shalt  }
0x65: {  	_ =	shalt  }
0x66: {  	_ =	shalt  }
0x67: {  	_ =	shalt  }
0x68: {  	_ =	shalt  }
0x69: {  	_ =	shalt  }
0x6a: {  	_ =	shalt  }
0x6b: {  	_ =	shalt  }
0x6c: {  	_ =	shalt  }
0x6d: {  	_ =	shalt  }
0x6e: {  	_ =	shalt  }
0x6f: {  	_ =	shalt  }
0x70: {  	_ =	shalt  }
0x71: {  	_ =	shalt  }
0x72: {  	_ =	shalt  }
0x73: {  	_ =	shalt  }
0x74: {  	_ =	shalt  }
0x75: {  	_ =	shalt  }
0x76: {  	_ =	shalt  }
0x77: {  	_ =	shalt  }
0x78: {  	_ =	shalt  }
0x79: {  	_ =	shalt  }
0x7a: {  	_ =	shalt  }
0x7b: {  	_ =	shalt  }
0x7c: {  	_ =	shalt  }
0x7d: {  	_ =	shalt  }
0x7e: {  	_ =	shalt  }
0x7f: {  	_ =	shalt  }
0x80: {  	_ =	shalt  }
0x81: {  	_ =	shalt  }
0x82: {  	_ =	shalt  }
0x83: {  	_ =	shalt  }
0x84: {  	_ =	shalt  }
0x85: {  	_ =	shalt  }
0x86: {  	_ =	shalt  }
0x87: {  	_ =	shalt  }
.Lfunc_end0:
.L_simem_size_0:
called_computation.2_lowered:
.L_overlay_start_0:
0x88: {  	s2 =	sld [smem:$0x3FD9]  }
0x89: {  	s3 =	sld [smem:$0x3FFE];
	_ =	sdelay $0x1  }
0x8a: {  	s1 =	srdreg.scid  }
0x8b: {  	s0 =	sand.u32 $0x1, s1  }
0x8c: {  	s16 =	sshll.u32 s0, $0xA;
	s2 =	sadd.s32 s3, s2  }
0x8d: {  	s2 =	sadd.s32 s2, s16  }
0x8e: {  	[smem:$0x3FBD] =	sst s2  }
0x8f: {  	_ = 	snop  }
0x90: {  	(tm) =	ssettm $0x1  }
0x91: {  	s17 =	sld [smem:$0x3FFB];
	_ =	sdelay $0x3  }
0x92: {  	_ =	strace s17  }
0x93: {  	s2 =	sld [smem:$0x3FFC];
	_ =	sdelay $0x3  }
0x94: {  	_ =	strace s2  }
0x95: {  	s2 =	sld [smem:$0x3FFD];
	_ =	sdelay $0x3  }
0x96: {  	_ =	strace s2  }
0x97: {  	_ =	strace $0x8FFFFFFF  }
0x98: {  	s18 =	sld [smem:$0x3FDB];
	_ =	sdelay $0x1  }
0x99: {  	s19 =	simm.s32 $_scs_section_size  }
0x9a: {  	s4 =	simm.s32 $_size__tile_overlayer_lowered;
	s5 =	simm.s32 $_tile_overlayer_lowered  }
0x9b: {  	s22 =	simm.s32 $0x1BFF;
	s21 =	sshll.u32 s5, $0x1;
	s2 =	sadd.s32 s19, s18  }
0x9c: {  	s6 =	simm.s32 $0x0;
	s20 =	sshll.u32 s4, $0x1;
	s4 =	sadd.s32 s21, s2  }
0x9d: {  	[timem:s6], [sflag:s22] =	dma.local [hbm:s4], s20  }
0x9e: {  	_ =	swait.ge [sflag:s22], s20  }
0x9f: {  	s3 =	ssub.s32 $0x0, s20;
	[sflag:s22] =	ssyncset.done $0x0  }
0xa0: {  	[sflag:s22] =	ssyncadd.s32 s3;
	_ =	sdelay $0x1  }
0xa1: {  	s23 =	simm.s32 $0x1B8B  }
0xa2: {  	_ =	swait.ge [sflag:s23], $0x1  }
0xa3: {  	[sflag:s23] =	ssyncset.done $0x0  }
0xa4: {  	s25 =	simm.s32 $0x1B8E;
	s24 =	sld [smem:$0x3FFE];
	[sflag:s23] =	ssyncadd.s32 $0xFFFFFFFF  }
0xa5: {  	s26 =	simm.s32 $execute0_lowered;
	[smem:$0x3FD2] =	sst s25  }
0xa6: {  	s4 =	sshll.u32 s26, $0x1;
	_ =	strace $0x8000004C;
	[dreg:$0x1] =	wrdreg $0xFFFFFFFF  }
0xa7: {  	s28 =	simm.s32 $_size_execute0_lowered;
	s2 =	sadd.s32 s2, s4;
	[dreg:$0x0] =	wrdreg $0x0  }
0xa8: {  	s4 =	sshll.u32 s28, $0x1;
	[dreg:$0x2] =	wrdreg s2  }
0xa9: {  	[dreg:$0x3] =	wrdreg s4  }
0xaa: {  	[dreg:$0x4] =	wrdreg $0xC0  }
0xab: {  	_ =	task [dreg:s6], $0x5FFFF  }
0xac: {  	[dreg:$0x1] =	wrdreg $0xFFFFFFFF  }
0xad: {  	[dreg:$0x0] =	wrdreg $0x60  }
0xae: {  	[dreg:$0x2] =	wrdreg s24  }
0xaf: {  	[dreg:$0x3] =	wrdreg $0x41000  }
0xb0: {  	[dreg:$0x4] =	wrdreg $0x9  }
0xb1: {  	_ =	task.clear_ibuf [dreg:s6], $0x5FFFF;
	_ =	strace $0x9000004C  }
0xb2: {  	s29 =	simm.s32 $0x9;
	_ =	strace $0x8000004E  }
0xb3: {  	_ =	swait.ge [sflag:s29], $0x1  }
0xb4: {  	[sflag:s29] =	ssyncadd.s32 $0xFFFFFFFF  }
0xb5: {  	_ =	strace $0x9000004E  }
0xb6: {  	_ =	sfence  }
0xb7: {  	s30 =	sld [smem:$0x0];
	_ =	sdelay $0x2  }
0xb8: {  	s31 =	sshll.u32 s1, $0xD;
	s1 =	sshrl.u32 s1, $0x2  }
0xb9: {  	s3 =	sand.u32 $0x4000, s31;
	s1 =	sadd.s32 s1, s30  }
0xba: {  	s0 =	sor.u32 s3, s0;
	s1 =	sshll.u32 s1, $0x11  }
0xbb: {  	s0 =	sor.u32 s1, s0  }
0xbc: {  	s0 =	sadd.s32 $0x8F2B, s0  }
0xbd: {  	[sflag:s0] =	ssyncadd.remote.s32 $0x1  }
0xbe: {  	_ =	sfence.sel $0xFFFF  }
0xbf: {  	[dreg:$0x0] =	wrdreg $0xFFFFFFFF;
	(pc) =	sbr.abs _section_cstart, $3  }
0xc0: {  	[dreg:$0x1] =	wrdreg $0xFFFFFFFF  }
0xc1: {  	_ =	task.clear_ibuf [dreg:s6], $0x2FFFF;
	_ =	strace $0x9FFFFFFF  }
0xc2: {  	(tm) =	ssettm $0x7FFFFFFF  }
0xc3: {  	_ =	shalt  }
tec
execute0_lowered:
.L_overlay_start_1:
0x0: {  	(tag) =	ssettag $0x1  }
0x1: {  	s5 =	rddreg [dreg:$0x0]  }
0x2: {  	s2 =	rddreg [dreg:$0x1]  }
0x3: {  	s0 =	rddreg [dreg:$0x2]  }
0x4: {  	s1 =	stileid.u32;
	s4 =	srdreg.scid  }
0x5: {  	s3 =	simm.s32 $0x0;
	s16 =	simm.s32 $0x100;
	s17 =	simm.s32 $0x2  }
0x6: {  	s18 =	simm.s32 $0x80;
	s19 =	simm.s32 $0x1;
	s6 =	smul.u32 $0x30, s1  }
0x7: {  	s20 =	simm.s32 $0x0;
	s7 =	sand.u32 $0x1, s4;
	s4 =	smul.u32 $0x6E, s1  }
0x8: {  	[smem:$0x7FF] =	sst s3;
	s8 =	smul.u32 $0x50000, s1;
	s11 =	sadd.s32 $0x3DE00, s5  }
0x9: {  	s13 =	smul.u32 $0x14000, s1;
	p0 =	seq.s32 s7, $0x0;
	_ =	strace $0x8000004D  }
0xa: {  	s9 =	ssub.s32 $0x2, s7;
	s12 =	smul.u32 $0x138800, s7;
	s6 =	sadd.s32 $0x6E0, s6  }
0xb: {  	s10 =	sshrl.u32 s9, $0x1;
	s30 =	sshrl.u32 s8, $0x2;
	s6 =	smov.u32 @p0 s4  }
0xc: {  	s4 =	sadd.s32 $0x16C00, s5;
	s14 =	ssub.s32 s9, s10;
	s31 =	sadd.s32 s13, s12  }
0xd: {  	s12 =	sshrl.u32 s12, $0x3;
	s6 =	sshll.u32 s6, $0x4;
	s13 =	sshrl.u32 s31, $0x3  }
0xe: {  	s12 =	sadd.s32 s11, s12;
	s15 =	sadd.s32 s6, s5;
	s5 =	simm.s32 $0x6E  }
0xf: {  	s6 =	sadd.s32 s30, s2;
	s11 =	sadd.s32 s11, s13;
	s12 =	sadd.s32 $0x25800, s12  }
0x10: {  	s13 =	smax.u32 s14, $0x1;
	s5 =	simm.s32 @!p0 $0x30;
	s7 =	sadd.s32 $0x4000, s6  }
0x11: {  	s8 =	sadd.s32 $0x8000, s6;
	s9 =	sadd.s32 $0xC000, s6;
	s10 =	sadd.s32 $0x10000, s6  }
0x12: {  	v0 =	vimm.f32 $0.0e+00;
	s14 =	sadd.s32 $0x2600, s15;
	s15 =	sadd.s32 $0xCE00, s15;
	p0 =	seq.s32 s1, $0xF  }
.LBB2_1:
0x13: {  	s21 =	simm.s32 $0x0;
	s22 =	simm.s32 $0x200  }
.LBB2_2:
0x14: {  	p1 =	sne.s32 s22, $0xFE00;
	[tilespmem:s21+$0x170] =	vst v0  }
0x15: {  	[tilespmem:s21+$0x100] =	vst v0  }
0x16: {  	[tilespmem:s21+$0x110] =	vst v0  }
.Ltmp0:
0x17: {  	[tilespmem:s21+$0x120] =	vst v0;
	(pc) =	sbr.rel @p1 .LBB2_2-.Ltmp0, $4  }
0x18: {  	[tilespmem:s21+$0x130] =	vst v0  }
0x19: {  	[tilespmem:s21+$0x140] =	vst v0  }
0x1a: {  	[tilespmem:s21+$0x150] =	vst v0  }
0x1b: {  	[tilespmem:s21+$0x160] =	vst v0;
	s21 =	sshra.s32 s22, $0x2;
	s22 =	sadd.s32 $0x200, s22  }
0x1c: {  	[tilespmem:s21+$0x170] =	vst v0  }
0x1d: {  	[tilespmem:s21+$0x100] =	vst v0  }
0x1e: {  	[tilespmem:s21+$0x110] =	vst v0  }
0x1f: {  	[tilespmem:s21+$0x120] =	vst v0  }
0x20: {  	[tilespmem:s21+$0x130] =	vst v0  }
0x21: {  	[tilespmem:s21+$0x140] =	vst v0  }
0x22: {  	[tilespmem:s21+$0x150] =	vst v0  }
0x23: {  	[tilespmem:s21+$0x160] =	vst v0  }
0x24: {  	[spmem:s6] =	stream.linear.scatter [tilespmem:s16], [sflag:$0x2], $0x4000, $0x38;
	[tilespmem:$0x18100] =	vst v63  }
0x25: {  	_ =	swait.ge [sflag:s17], $0x4000  }
0x26: {  	[sflag:s17] =	ssyncset.done $0x0  }
0x27: {  	[sflag:s17] =	ssyncadd.s32 $0xFFFFC000  }
0x28: {  	[spmem:s7] =	stream.linear.scatter [tilespmem:s16], [sflag:$0x2], $0x4000, $0x38;
	[tilespmem:$0x18100] =	vst v63  }
0x29: {  	_ =	swait.ge [sflag:s17], $0x4000  }
0x2a: {  	[sflag:s17] =	ssyncset.done $0x0  }
0x2b: {  	[sflag:s17] =	ssyncadd.s32 $0xFFFFC000  }
0x2c: {  	[spmem:s8] =	stream.linear.scatter [tilespmem:s16], [sflag:$0x2], $0x4000, $0x38;
	[tilespmem:$0x18100] =	vst v63  }
0x2d: {  	_ =	swait.ge [sflag:s17], $0x4000  }
0x2e: {  	[sflag:s17] =	ssyncset.done $0x0  }
0x2f: {  	[sflag:s17] =	ssyncadd.s32 $0xFFFFC000  }
0x30: {  	[spmem:s9] =	stream.linear.scatter [tilespmem:s16], [sflag:$0x2], $0x4000, $0x38;
	[tilespmem:$0x18100] =	vst v63  }
0x31: {  	_ =	swait.ge [sflag:s17], $0x4000  }
0x32: {  	[sflag:s17] =	ssyncset.done $0x0  }
0x33: {  	[sflag:s17] =	ssyncadd.s32 $0xFFFFC000  }
0x34: {  	[spmem:s10] =	stream.linear.scatter [tilespmem:s16], [sflag:$0x2], $0x4000, $0x38;
	[tilespmem:$0x18100] =	vst v63  }
0x35: {  	_ =	swait.ge [sflag:s17], $0x4000  }
0x36: {  	[sflag:s17] =	ssyncset.done $0x0  }
0x37: {  	[sflag:s17] =	ssyncadd.s32 $0xFFFFC000  }
0x38: {  	[bflag:$0x0] =	sbarrier.arrive $0xFFFF  }
0x39: {  	[tilespmem:s3], [sflag:$0x2] =	stream.linear.gather [hbm4b:s15+s3], $0x80, $0x38;
	[tilespmem:$0x18100] =	vst v63  }
0x3a: {  	_ =	swait.ge [sflag:s17], $0x80  }
0x3b: {  	[sflag:s17] =	ssyncset.done $0x0  }
0x3c: {  	[sflag:s17] =	ssyncadd.s32 $0xFFFFFF80  }
0x3d: {  	[tilespmem:s18], [sflag:$0x2] =	stream.linear.gather [hbm4b:s14+s3], $0x80, $0x38;
	[tilespmem:$0x18100] =	vst v63  }
0x3e: {  	_ =	swait.ge [sflag:s17], $0x80  }
0x3f: {  	[sflag:s17] =	ssyncset.done $0x0  }
0x40: {  	[sflag:s17] =	ssyncadd.s32 $0xFFFFFF80  }
0x41: {  	[tilespmem:s16], [sflag:$0x1] =	stream.indirect.gather [hbm4b:s4+s18], $0x80, s3, s18, $0xb8;
	[tilespmem:$0x18100] =	vst v63  }
0x42: {  	p1 =	sne.s32 s5, $0x1;
	_ =	swait.ge [sflag:s19], $0x4000  }
.Ltmp1:
0x43: {  	[sflag:s19] =	ssyncset.done $0x0;
	(pc) =	sbr.rel @!p1 .LBB2_5-.Ltmp1, $4  }
0x44: {  	[sflag:s19] =	ssyncadd.s32 $0xFFFFC000  }
0x45: {  	[spmem:s2] =	stream.indirect.scatter.add.f32 [tilespmem:s16], [sflag:$0x2], $0x80, s18, s18, $0xb8;
	[tilespmem:$0x18100] =	vst v63  }
0x46: {  	s21 =	sadd.s32 $0xFFFFFFFF, s5;
	_ =	swait.ge [sflag:s17], $0x4000  }
0x47: {  	s22 =	smov.u32 s14;
	s23 =	smov.u32 s15;
	[sflag:s17] =	ssyncset.done $0x0  }
.LBB2_4:
0x48: {  	[sflag:s17] =	ssyncadd.s32 $0xFFFFC000;
	s22 =	sadd.s32 $0x10, s22;
	s23 =	sadd.s32 $0x10, s23  }
0x49: {  	[tilespmem:s3], [sflag:$0x2] =	stream.linear.gather [hbm4b:s23+s3], $0x80, $0x38;
	[tilespmem:$0x18100] =	vst v63  }
0x4a: {  	p1 =	sne.s32 s21, $0x1;
	s21 =	sadd.s32 $0xFFFFFFFF, s21;
	_ =	swait.ge [sflag:s17], $0x80  }
0x4b: {  	[sflag:s17] =	ssyncset.done $0x0  }
0x4c: {  	[sflag:s17] =	ssyncadd.s32 $0xFFFFFF80  }
0x4d: {  	[tilespmem:s18], [sflag:$0x2] =	stream.linear.gather [hbm4b:s22+s3], $0x80, $0x38;
	[tilespmem:$0x18100] =	vst v63  }
0x4e: {  	_ =	swait.ge [sflag:s17], $0x80  }
0x4f: {  	[sflag:s17] =	ssyncset.done $0x0  }
0x50: {  	[sflag:s17] =	ssyncadd.s32 $0xFFFFFF80  }
0x51: {  	[tilespmem:s16], [sflag:$0x1] =	stream.indirect.gather [hbm4b:s4+s18], $0x80, s3, s18, $0xb8;
	[tilespmem:$0x18100] =	vst v63  }
0x52: {  	_ =	swait.ge [sflag:s19], $0x4000  }
.Ltmp2:
0x53: {  	[sflag:s19] =	ssyncset.done $0x0;
	(pc) =	sbr.rel @p1 .LBB2_4-.Ltmp2, $4  }
0x54: {  	[sflag:s19] =	ssyncadd.s32 $0xFFFFC000  }
0x55: {  	[spmem:s2] =	stream.indirect.scatter.add.f32 [tilespmem:s16], [sflag:$0x2], $0x80, s18, s18, $0xb8;
	[tilespmem:$0x18100] =	vst v63  }
0x56: {  	_ =	swait.ge [sflag:s17], $0x4000  }
0x57: {  	[sflag:s17] =	ssyncset.done $0x0  }
.LBB2_5:
0x58: {  	[sflag:s17] =	ssyncadd.s32 $0xFFFFC000  }
0x59: {  	s21 =	sshrl.u32 @p0 s6, $0x3;
	s22 =	simm.s32 @p0 $0x1FC2;
	[bflag:$0x0] =	sbarrier.arrive $0xFFFF  }
0x5a: {  	[hbm:s12], [sflag:s22] =	dma.local @p0 [spmem:s21], $0x1900  }
0x5b: {  	s21 =	simm.s32 @p0 $0x2  }
0x5c: {  	s20 =	sadd.s32 $0x1, s20;
	_ =	swait.ge @p0 [sflag:s21], $0x1900  }
0x5d: {  	p1 =	sne.s32 s20, s13;
	s22 =	sshll.u32 @!p0 s1, $0x6;
	[sflag:s21] =	ssyncset.done @p0 $0x0  }
0x5e: {  	[sflag:s21] =	ssyncadd.s32 @p0 $0xFFFFE700;
	s21 =	sor.u32 @!p0 $0x1C02, s22;
	s22 =	sshrl.u32 @!p0 s6, $0x3  }
0x5f: {  	[hbm:s11], [sflag:s21] =	dma.local @!p0 [spmem:s22], $0x2800  }
.Ltmp3:
0x60: {  	_ = 	snop;
	(pc) =	sbr.rel @p1 .LBB2_1-.Ltmp3, $4  }
0x61: {  	s21 =	simm.s32 @!p0 $0x2  }
0x62: {  	_ =	swait.ge @!p0 [sflag:s21], $0x2800  }
0x63: {  	[sflag:s21] =	ssyncset.done @!p0 $0x0  }
0x64: {  	[sflag:s21] =	ssyncadd.s32 @!p0 $0xFFFFD800  }
0x65: {  	_ =	sfence.sel $0x180000  }
0x66: {  	[bflag:$0x0] =	sbarrier.arrive $0xFFFF  }
0x67: {  	p0 =	sne.s32 s1, $0x0;
	_ =	strace $0x9000004D  }
0x68: {  	s0 =	sadd.s32 @!p0 $0x100000, s0;
	[bflag:$0x2] =	sbarrier.arrive $0xFFFF  }
0x69: {  	[sflag:s0] =	ssyncadd.tile.s32 @!p0 $0x1;
	_ =	shalt  }
.Lfunc_end2:
_tile_overlayer_lowered:
.L_overlay_start_2:
0x6a: {  	(tag) =	ssettag $0x2  }
0x6b: {  	s0 =	rddreg [dreg:$0x0];
	s2 =	stileid.u32  }
0x6c: {  	s1 =	rddreg [dreg:$0x1];
	p0 =	sne.s32 s2, $0x0  }
0x6d: {  	s3 =	rddreg [dreg:$0x2];
	[bflag:$0x3] =	sbarrier.arrive $0xFFFF;
	s2 =	simm.s32 @!p0 $0x1C02  }
0x6e: {  	[timem:s3], [sflag:s2] =	dma.local @!p0 [hbm:s0], s1  }
0x6f: {  	s0 =	simm.s32 @!p0 $0x2  }
0x70: {  	_ =	swait.ge @!p0 [sflag:s0], s1  }
0x71: {  	s1 =	ssub.s32 @!p0 $0x0, s1;
	[sflag:s0] =	ssyncset.done @!p0 $0x0  }
0x72: {  	[sflag:s0] =	ssyncadd.s32 @!p0 s1  }
0x73: {  	[bflag:$0x3] =	sbarrier.arrive $0xFFFF  }
0x74: {  	_ =	shalt  }

// kernel: kernel.8.cloned.1.call-start
scs
__scs_entry_jumppad:
0x0: {  	(pc) =	sbr.rel $0x88, $3  }
0x1: {  	(tag) =	ssettag $0x0;
	lr =	simm.s32 $0x1  }
0x2: {  	[smem:$0x3F96] =	sst lr;
	_ =	strace $0xD0000000  }
0x3: {  	_ = 	snop  }
0x4: {  	_ = 	snop  }
0x5: {  	_ = 	snop  }
0x6: {  	_ = 	snop  }
0x7: {  	_ = 	snop  }
__scs_overlays_trampoline_lowered:
0x8: {  	[smem:$0x3FA5] =	sst s0  }
0x9: {  	[smem:$0x3FA6] =	sst s1  }
0xa: {  	[smem:$0x3FA7] =	sst s2  }
0xb: {  	[smem:$0x3FA8] =	sst s3  }
0xc: {  	[smem:$0x3FA9] =	sst s4  }
0xd: {  	[smem:$0x3FAA] =	sst s5  }
0xe: {  	[smem:$0x3FAB] =	sst s6  }
0xf: {  	[smem:$0x3FAC] =	sst s7  }
0x10: {  	[smem:$0x3FAD] =	sst s8  }
0x11: {  	[smem:$0x3FAE] =	sst s9;
	s0 =	simm.s32 @!p0 $0x0  }
0x12: {  	s1 =	sld [smem:$0x3F94];
	s0 =	simm.s32 @p0 $0x1  }
0x13: {  	[smem:$0x3FAF] =	sst s0;
	s0 =	simm.s32 @!p1 $0x0  }
0x14: {  	s2 =	sld [smem:$0x3F93];
	s0 =	simm.s32 @p1 $0x1  }
0x15: {  	[smem:$0x3FB0] =	sst s0;
	s0 =	simm.s32 @!p2 $0x0  }
0x16: {  	s3 =	sld [smem:$0x3FDB];
	s0 =	simm.s32 @p2 $0x1  }
0x17: {  	s4 =	simm.s32 $0x1BF5;
	[smem:$0x3FB2] =	sst s0  }
0x18: {  	s0 =	sld [smem:$0x3F95];
	_ =	swait.ge [sflag:s4], $0x0  }
0x19: {  	s7 =	sld [smem:$0x3F96]  }
0x1a: {  	s8 =	sadd.s32 $0xFFFFE003, lr  }
0x1b: {  	s9 =	sadd.s32 $0xFFFFFEF7, lr;
	s5 =	simm.s32 $0xFFFFFFFF;
	p2 =	slt.u32 s8, $0xFFFFF086  }
0x1c: {  	p1 =	slt.u32 s9, $0xF7A;
	s5 =	simm.s32 @!p2 $0x0  }
0x1d: {  	s5 =	simm.s32 @p1 $0x1;
	p0 =	seq.s32 s7, s2  }
0x1e: {  	s7 =	smul.u32 @!p0 $0xF7A, s2;
	p2 =	seq.s32 @!p0 s5, $0x0  }
0x1f: {  	s9 =	smul.u32 $0xF7A, s1;
	s8 =	simm.s32 @!p0 $0x1BF5;
	p2 =	por !p2, p0  }
0x20: {  	[sflag:s8] =	ssyncset.s32 @!p0 $0xFFFFF086;
	s6 =	sadd.s32 @!p0 s3, s7;
	s7 =	simm.s32 @!p0 $0x108  }
0x21: {  	s3 =	sadd.s32 s3, s9;
	s6 =	sadd.s32 @!p0 $0x88, s6;
	s7 =	simm.s32 @p2 $0x1082  }
0x22: {  	[simem:s7], [sflag:s8] =	dma.local @!p0 [hbm:s6], $0xF7A  }
0x23: {  	s9 =	sor.u32 $0xD0000000, s2;
	s6 =	simm.s32 $0x108;
	_ =	swait.ge @!p0 [sflag:s8], $0x0  }
0x24: {  	s3 =	sadd.s32 $0x88, s3;
	s6 =	simm.s32 @!p1 $0x1082;
	[sflag:s4] =	ssyncset.s32 $0xFFFFF086  }
0x25: {  	[simem:s6], [sflag:s4] =	dma.local [hbm:s3], $0xF7A  }
0x26: {  	[smem:$0x3F96] =	sst s1;
	(tag) =	ssettag s2;
	_ =	strace s9  }
0x27: {  	s1 =	sld [smem:$0x3FA6]  }
0x28: {  	s2 =	sld [smem:$0x3FA7]  }
0x29: {  	s4 =	sld [smem:$0x3FA9]  }
0x2a: {  	p0 =	seq.s32 s5, $0x0;
	s5 =	sld [smem:$0x3FAA]  }
0x2b: {  	s6 =	sld [smem:$0x3FAB]  }
0x2c: {  	s7 =	sld [smem:$0x3FAC]  }
0x2d: {  	s3 =	simm.s32 $0x108;
	s8 =	sld [smem:$0x3FAD]  }
0x2e: {  	s3 =	simm.s32 @!p0 $0x1082;
	s9 =	sld [smem:$0x3FAE]  }
0x2f: {  	lr =	sadd.s32 s0, s3;
	s0 =	sld [smem:$0x3FA5]  }
0x30: {  	s3 =	sld [smem:$0x3FA8]  }
0x31: {  	[smem:$0x3FB1] =	sst s10  }
0x32: {  	s10 =	sld [smem:$0x3FAF];
	_ =	sdelay $0x3  }
0x33: {  	p0 =	seq.s32 s10, $0x1;
	s10 =	sld [smem:$0x3FB1];
	_ =	sdelay $0x3  }
0x34: {  	[smem:$0x3FB1] =	sst s10  }
0x35: {  	s10 =	sld [smem:$0x3FB0];
	_ =	sdelay $0x3  }
0x36: {  	p1 =	seq.s32 s10, $0x1;
	s10 =	sld [smem:$0x3FB1];
	_ =	sdelay $0x3  }
0x37: {  	[smem:$0x3FB1] =	sst s10  }
0x38: {  	s10 =	sld [smem:$0x3FB2]  }
0x39: {  	_ = 	snop;
	(pc) =	sbr.ind lr, $3  }
0x3a: {  	_ = 	snop  }
0x3b: {  	_ = 	snop  }
0x3c: {  	p2 =	seq.s32 s10, $0x1;
	s10 =	sld [smem:$0x3FB1]  }
0x3d: {  	_ =	shalt  }
0x3e: {  	_ =	shalt  }
0x3f: {  	_ =	shalt  }
0x40: {  	_ =	shalt  }
0x41: {  	_ =	shalt  }
0x42: {  	_ =	shalt  }
0x43: {  	_ =	shalt  }
0x44: {  	_ =	shalt  }
0x45: {  	_ =	shalt  }
0x46: {  	_ =	shalt  }
0x47: {  	_ =	shalt  }
0x48: {  	_ =	shalt  }
0x49: {  	_ =	shalt  }
0x4a: {  	_ =	shalt  }
0x4b: {  	_ =	shalt  }
0x4c: {  	_ =	shalt  }
0x4d: {  	_ =	shalt  }
0x4e: {  	_ =	shalt  }
0x4f: {  	_ =	shalt  }
0x50: {  	_ =	shalt  }
0x51: {  	_ =	shalt  }
0x52: {  	_ =	shalt  }
0x53: {  	_ =	shalt  }
0x54: {  	_ =	shalt  }
0x55: {  	_ =	shalt  }
0x56: {  	_ =	shalt  }
0x57: {  	_ =	shalt  }
0x58: {  	_ =	shalt  }
0x59: {  	_ =	shalt  }
0x5a: {  	_ =	shalt  }
0x5b: {  	_ =	shalt  }
0x5c: {  	_ =	shalt  }
0x5d: {  	_ =	shalt  }
0x5e: {  	_ =	shalt  }
0x5f: {  	_ =	shalt  }
0x60: {  	_ =	shalt  }
0x61: {  	_ =	shalt  }
0x62: {  	_ =	shalt  }
0x63: {  	_ =	shalt  }
0x64: {  	_ =	shalt  }
0x65: {  	_ =	shalt  }
0x66: {  	_ =	shalt  }
0x67: {  	_ =	shalt  }
0x68: {  	_ =	shalt  }
0x69: {  	_ =	shalt  }
0x6a: {  	_ =	shalt  }
0x6b: {  	_ =	shalt  }
0x6c: {  	_ =	shalt  }
0x6d: {  	_ =	shalt  }
0x6e: {  	_ =	shalt  }
0x6f: {  	_ =	shalt  }
0x70: {  	_ =	shalt  }
0x71: {  	_ =	shalt  }
0x72: {  	_ =	shalt  }
0x73: {  	_ =	shalt  }
0x74: {  	_ =	shalt  }
0x75: {  	_ =	shalt  }
0x76: {  	_ =	shalt  }
0x77: {  	_ =	shalt  }
0x78: {  	_ =	shalt  }
0x79: {  	_ =	shalt  }
0x7a: {  	_ =	shalt  }
0x7b: {  	_ =	shalt  }
0x7c: {  	_ =	shalt  }
0x7d: {  	_ =	shalt  }
0x7e: {  	_ =	shalt  }
0x7f: {  	_ =	shalt  }
0x80: {  	_ =	shalt  }
0x81: {  	_ =	shalt  }
0x82: {  	_ =	shalt  }
0x83: {  	_ =	shalt  }
0x84: {  	_ =	shalt  }
0x85: {  	_ =	shalt  }
0x86: {  	_ =	shalt  }
0x87: {  	_ =	shalt  }
.Lfunc_end0:
.L_simem_size_0:
called_computation_lowered:
.L_overlay_start_0:
0x88: {  	s2 =	sld [smem:$0x3FD9]  }
0x89: {  	s3 =	sld [smem:$0x3FFE];
	_ =	sdelay $0x1  }
0x8a: {  	s1 =	srdreg.scid  }
0x8b: {  	s0 =	sand.u32 $0x1, s1  }
0x8c: {  	s16 =	sshll.u32 s0, $0xA;
	s2 =	sadd.s32 s3, s2  }
0x8d: {  	s2 =	sadd.s32 s2, s16  }
0x8e: {  	[smem:$0x3FBD] =	sst s2  }
0x8f: {  	_ = 	snop  }
0x90: {  	(tm) =	ssettm $0x1  }
0x91: {  	s17 =	sld [smem:$0x3FFB];
	_ =	sdelay $0x3  }
0x92: {  	_ =	strace s17  }
0x93: {  	s2 =	sld [smem:$0x3FFC];
	_ =	sdelay $0x3  }
0x94: {  	_ =	strace s2  }
0x95: {  	s2 =	sld [smem:$0x3FFD];
	_ =	sdelay $0x3  }
0x96: {  	_ =	strace s2  }
0x97: {  	_ =	strace $0x8FFFFFFF  }
0x98: {  	s18 =	sld [smem:$0x3FDB];
	_ =	sdelay $0x1  }
0x99: {  	s19 =	simm.s32 $_scs_section_size  }
0x9a: {  	s4 =	simm.s32 $_size__tile_overlayer_lowered;
	s5 =	simm.s32 $_tile_overlayer_lowered  }
0x9b: {  	s22 =	simm.s32 $0x1BFF;
	s21 =	sshll.u32 s5, $0x1;
	s2 =	sadd.s32 s19, s18  }
0x9c: {  	s6 =	simm.s32 $0x0;
	s20 =	sshll.u32 s4, $0x1;
	s4 =	sadd.s32 s21, s2  }
0x9d: {  	[timem:s6], [sflag:s22] =	dma.local [hbm:s4], s20  }
0x9e: {  	_ =	swait.ge [sflag:s22], s20  }
0x9f: {  	s3 =	ssub.s32 $0x0, s20;
	[sflag:s22] =	ssyncset.done $0x0  }
0xa0: {  	[sflag:s22] =	ssyncadd.s32 s3;
	_ =	sdelay $0x1  }
0xa1: {  	s23 =	simm.s32 $0x1B8B  }
0xa2: {  	_ =	swait.ge [sflag:s23], $0x1  }
0xa3: {  	[sflag:s23] =	ssyncset.done $0x0  }
0xa4: {  	s25 =	simm.s32 $0x1B8E;
	s24 =	sld [smem:$0x3FFE];
	[sflag:s23] =	ssyncadd.s32 $0xFFFFFFFF  }
0xa5: {  	s26 =	simm.s32 $execute0_lowered;
	[smem:$0x3FD2] =	sst s25  }
0xa6: {  	s4 =	sshll.u32 s26, $0x1;
	_ =	strace $0x80000046;
	[dreg:$0x1] =	wrdreg $0xFFFFFFFF  }
0xa7: {  	s28 =	simm.s32 $_size_execute0_lowered;
	s2 =	sadd.s32 s2, s4;
	[dreg:$0x0] =	wrdreg $0x0  }
0xa8: {  	s4 =	sshll.u32 s28, $0x1;
	[dreg:$0x2] =	wrdreg s2  }
0xa9: {  	[dreg:$0x3] =	wrdreg s4  }
0xaa: {  	[dreg:$0x4] =	wrdreg $0xC0  }
0xab: {  	_ =	task [dreg:s6], $0x5FFFF  }
0xac: {  	[dreg:$0x1] =	wrdreg $0xFFFFFFFF  }
0xad: {  	[dreg:$0x0] =	wrdreg $0x60  }
0xae: {  	[dreg:$0x2] =	wrdreg s24  }
0xaf: {  	[dreg:$0x3] =	wrdreg $0x3800  }
0xb0: {  	[dreg:$0x4] =	wrdreg $0x9  }
0xb1: {  	_ =	task.clear_ibuf [dreg:s6], $0x5FFFF;
	_ =	strace $0x90000046  }
0xb2: {  	s29 =	simm.s32 $0x9;
	_ =	strace $0x80000048  }
0xb3: {  	_ =	swait.ge [sflag:s29], $0x1  }
0xb4: {  	[sflag:s29] =	ssyncadd.s32 $0xFFFFFFFF  }
0xb5: {  	_ =	strace $0x90000048  }
0xb6: {  	_ =	sfence  }
0xb7: {  	s30 =	sld [smem:$0x0];
	_ =	sdelay $0x2  }
0xb8: {  	s31 =	sshll.u32 s1, $0xD;
	s1 =	sshrl.u32 s1, $0x2  }
0xb9: {  	s3 =	sand.u32 $0x4000, s31;
	s1 =	sadd.s32 s1, s30  }
0xba: {  	s0 =	sor.u32 s3, s0;
	s1 =	sshll.u32 s1, $0x11  }
0xbb: {  	s0 =	sor.u32 s1, s0  }
0xbc: {  	s0 =	sadd.s32 $0x8F2B, s0  }
0xbd: {  	[sflag:s0] =	ssyncadd.remote.s32 $0x1  }
0xbe: {  	_ =	sfence.sel $0xFFFF  }
0xbf: {  	[dreg:$0x0] =	wrdreg $0xFFFFFFFF;
	(pc) =	sbr.abs _section_cstart, $3  }
0xc0: {  	[dreg:$0x1] =	wrdreg $0xFFFFFFFF  }
0xc1: {  	_ =	task.clear_ibuf [dreg:s6], $0x2FFFF;
	_ =	strace $0x9FFFFFFF  }
0xc2: {  	(tm) =	ssettm $0x7FFFFFFF  }
0xc3: {  	_ =	shalt  }
tec
execute0_lowered:
.L_overlay_start_1:
0x0: {  	(tag) =	ssettag $0x1  }
0x1: {  	s4 =	rddreg [dreg:$0x0]  }
0x2: {  	s0 =	srdreg.scid;
	s1 =	stileid.u32  }
0x3: {  	s2 =	rddreg [dreg:$0x1];
	s3 =	simm.s32 $0x0;
	s7 =	smul.u32 $0x280, s1  }
0x4: {  	s5 =	sand.u32 $0x1, s0;
	s0 =	rddreg [dreg:$0x2];
	s12 =	smul.u32 $0x4F0, s1  }
0x5: {  	[smem:$0x7FF] =	sst s3;
	s10 =	sadd.s32 $0xC400, s4;
	s6 =	smul.u32 $0x4F00, s5  }
0x6: {  	p0 =	seq.s32 s1, $0xF;
	s8 =	ssub.s32 $0x2, s5;
	s5 =	smul.u32 $0x2710, s5  }
0x7: {  	_ =	strace $0x80000047;
	s26 =	sshrl.u32 s8, $0x1;
	s9 =	sadd.s32 s6, s4  }
0x8: {  	s8 =	ssub.s32 s8, s26;
	s28 =	sadd.s32 s7, s5;
	s11 =	sshrl.u32 s5, $0x3  }
0x9: {  	s4 =	sadd.s32 s7, s2;
	s29 =	sshrl.u32 s28, $0x3;
	s30 =	sadd.s32 s10, s11  }
0xa: {  	s7 =	smax.u32 s8, $0x1;
	s31 =	sadd.s32 s12, s9;
	s9 =	simm.s32 $0x100  }
0xb: {  	s11 =	simm.s32 $0x80;
	s12 =	simm.s32 $0x0;
	s5 =	sadd.s32 s10, s29  }
0xc: {  	v0 =	vimm.f32 $1.000000000e+00;
	v1 =	vimm.f32 $0.0e+00;
	s6 =	sadd.s32 $0x4B0, s30;
	s8 =	sadd.s32 $0x2600, s31;
	s10 =	simm.s32 $0x1  }
.LBB2_1:
0xd: {  	[tilespmem:$0x80] =	vst v0  }
0xe: {  	[tilespmem:$0x90] =	vst v0  }
0xf: {  	[tilespmem:$0xA0] =	vst v0  }
0x10: {  	[tilespmem:$0xB0] =	vst v0  }
0x11: {  	[tilespmem:$0xC0] =	vst v0  }
0x12: {  	[tilespmem:$0xD0] =	vst v0  }
0x13: {  	[tilespmem:$0xE0] =	vst v0  }
0x14: {  	[tilespmem:$0xF0] =	vst v0  }
0x15: {  	[tilespmem:$0x100] =	vst v1  }
0x16: {  	[tilespmem:$0x110] =	vst v1  }
0x17: {  	[tilespmem:$0x120] =	vst v1  }
0x18: {  	[tilespmem:$0x130] =	vst v1  }
0x19: {  	[tilespmem:$0x140] =	vst v1  }
0x1a: {  	[tilespmem:$0x150] =	vst v1  }
0x1b: {  	[tilespmem:$0x160] =	vst v1  }
0x1c: {  	[tilespmem:$0x170] =	vst v1  }
0x1d: {  	[tilespmem:$0x180] =	vst v1  }
0x1e: {  	[tilespmem:$0x190] =	vst v1  }
0x1f: {  	[tilespmem:$0x1A0] =	vst v1  }
0x20: {  	[tilespmem:$0x1B0] =	vst v1  }
0x21: {  	[tilespmem:$0x1C0] =	vst v1  }
0x22: {  	[tilespmem:$0x1D0] =	vst v1  }
0x23: {  	[tilespmem:$0x1E0] =	vst v1  }
0x24: {  	[tilespmem:$0x1F0] =	vst v1  }
0x25: {  	[tilespmem:$0x200] =	vst v1  }
0x26: {  	[tilespmem:$0x210] =	vst v1  }
0x27: {  	[tilespmem:$0x220] =	vst v1  }
0x28: {  	[tilespmem:$0x230] =	vst v1  }
0x29: {  	[tilespmem:$0x240] =	vst v1  }
0x2a: {  	[tilespmem:$0x250] =	vst v1  }
0x2b: {  	[tilespmem:$0x260] =	vst v1  }
0x2c: {  	[tilespmem:$0x270] =	vst v1  }
0x2d: {  	[tilespmem:$0x280] =	vst v1  }
0x2e: {  	[tilespmem:$0x290] =	vst v1  }
0x2f: {  	[tilespmem:$0x2A0] =	vst v1  }
0x30: {  	[tilespmem:$0x2B0] =	vst v1  }
0x31: {  	[tilespmem:$0x2C0] =	vst v1  }
0x32: {  	[tilespmem:$0x2D0] =	vst v1  }
0x33: {  	[tilespmem:$0x2E0] =	vst v1  }
0x34: {  	[tilespmem:$0x2F0] =	vst v1  }
0x35: {  	[tilespmem:$0x300] =	vst v1  }
0x36: {  	[tilespmem:$0x310] =	vst v1  }
0x37: {  	[tilespmem:$0x320] =	vst v1  }
0x38: {  	[tilespmem:$0x330] =	vst v1  }
0x39: {  	[tilespmem:$0x340] =	vst v1  }
0x3a: {  	[tilespmem:$0x350] =	vst v1  }
0x3b: {  	[tilespmem:$0x360] =	vst v1  }
0x3c: {  	[tilespmem:$0x370] =	vst v1  }
0x3d: {  	[spmem:s4] =	stream.linear.scatter [tilespmem:s9], [sflag:$0x1], $0x280, $0x38;
	[tilespmem:$0x600] =	vst v63  }
0x3e: {  	_ =	swait.ge [sflag:s10], $0x280  }
0x3f: {  	[sflag:s10] =	ssyncset.done $0x0  }
0x40: {  	[sflag:s10] =	ssyncadd.s32 $0xFFFFFD80  }
0x41: {  	s13 =	sadd.s32 $0x0, s8;
	[bflag:$0x0] =	sbarrier.arrive $0xFFFF  }
0x42: {  	[tilespmem:s3], [sflag:$0x1] =	stream.linear.gather [hbm4b:s13+s3], $0x80, $0x38;
	[tilespmem:$0x600] =	vst v63  }
0x43: {  	_ =	swait.ge [sflag:s10], $0x80  }
0x44: {  	[sflag:s10] =	ssyncset.done $0x0  }
0x45: {  	[sflag:s10] =	ssyncadd.s32 $0xFFFFFF80  }
0x46: {  	[spmem:s2] =	stream.indirect.scatter.add.f32 [tilespmem:s11], [sflag:$0x1], $0x1, s3, s11, $0xb8;
	[tilespmem:$0x600] =	vst v63  }
0x47: {  	_ =	swait.ge [sflag:s10], $0x80  }
0x48: {  	s14 =	simm.s32 $0x20;
	s13 =	simm.s32 $0x10;
	[sflag:s10] =	ssyncset.done $0x0  }
.LBB2_2:
0x49: {  	s15 =	sadd.s32 s13, s8  }
0x4a: {  	[sflag:s10] =	ssyncadd.s32 $0xFFFFFF80;
	s13 =	smov.u32 s14;
	s16 =	sadd.s32 $0x10, s14  }
0x4b: {  	[tilespmem:s3], [sflag:$0x1] =	stream.linear.gather [hbm4b:s15+s3], $0x80, $0x38;
	[tilespmem:$0x600] =	vst v63  }
0x4c: {  	p1 =	sne.s32 s14, $0x4E0;
	_ =	swait.ge [sflag:s10], $0x80  }
.Ltmp0:
0x4d: {  	[sflag:s10] =	ssyncset.done $0x0;
	(pc) =	sbr.rel @p1 .LBB2_2-.Ltmp0, $4  }
0x4e: {  	[sflag:s10] =	ssyncadd.s32 $0xFFFFFF80  }
0x4f: {  	[spmem:s2] =	stream.indirect.scatter.add.f32 [tilespmem:s11], [sflag:$0x1], $0x1, s3, s11, $0xb8;
	[tilespmem:$0x600] =	vst v63  }
0x50: {  	_ =	swait.ge [sflag:s10], $0x80  }
0x51: {  	s14 =	smov.u32 s16;
	[sflag:s10] =	ssyncset.done $0x0  }
0x52: {  	s13 =	sadd.s32 s13, s8;
	[sflag:s10] =	ssyncadd.s32 $0xFFFFFF80  }
0x53: {  	[tilespmem:s3], [sflag:$0x1] =	stream.linear.gather [hbm4b:s13+s3], $0x80, $0x38;
	[tilespmem:$0x600] =	vst v63  }
0x54: {  	_ =	swait.ge [sflag:s10], $0x80  }
0x55: {  	[sflag:s10] =	ssyncset.done $0x0  }
0x56: {  	[sflag:s10] =	ssyncadd.s32 $0xFFFFFF80  }
0x57: {  	[spmem:s2] =	stream.indirect.scatter.add.f32 [tilespmem:s11], [sflag:$0x1], $0x1, s3, s11, $0xb8;
	[tilespmem:$0x600] =	vst v63  }
0x58: {  	_ =	swait.ge [sflag:s10], $0x80  }
0x59: {  	[sflag:s10] =	ssyncset.done $0x0  }
0x5a: {  	[sflag:s10] =	ssyncadd.s32 $0xFFFFFF80  }
0x5b: {  	[bflag:$0x0] =	sbarrier.arrive $0xFFFF  }
0x5c: {  	[tilespmem:s9], [sflag:$0x1] =	stream.linear.gather [spmem:s4], $0x280, $0x38;
	[tilespmem:$0x600] =	vst v63  }
0x5d: {  	_ =	swait.ge [sflag:s10], $0x280  }
0x5e: {  	[sflag:s10] =	ssyncset.done $0x0  }
0x5f: {  	s14 =	simm.s32 @p0 $0x100;
	s13 =	simm.s32 @p0 $0x0;
	[sflag:s10] =	ssyncadd.s32 $0xFFFFFD80  }
0x60: {  	[hbm4b:s6+s13] =	stream.linear.scatter @p0 [tilespmem:s14], [sflag:$0x1], $0x190, $0x38;
	[tilespmem:$0x600] =	vst v63  }
0x61: {  	s13 =	simm.s32 @p0 $0x1  }
0x62: {  	s12 =	sadd.s32 $0x1, s12;
	_ =	swait.ge @p0 [sflag:s13], $0x190  }
0x63: {  	p1 =	sne.s32 s12, s7;
	[sflag:s13] =	ssyncset.done @p0 $0x0  }
0x64: {  	s14 =	simm.s32 @!p0 $0x100;
	[sflag:s13] =	ssyncadd.s32 @p0 $0xFFFFFE70;
	s13 =	simm.s32 @!p0 $0x0  }
0x65: {  	[hbm4b:s5+s13] =	stream.linear.scatter @!p0 [tilespmem:s14], [sflag:$0x1], $0x280, $0x38;
	[tilespmem:$0x600] =	vst v63  }
.Ltmp1:
0x66: {  	_ = 	snop;
	(pc) =	sbr.rel @p1 .LBB2_1-.Ltmp1, $4  }
0x67: {  	s13 =	simm.s32 @!p0 $0x1  }
0x68: {  	_ =	swait.ge @!p0 [sflag:s13], $0x280  }
0x69: {  	[sflag:s13] =	ssyncset.done @!p0 $0x0  }
0x6a: {  	[sflag:s13] =	ssyncadd.s32 @!p0 $0xFFFFFD80  }
0x6b: {  	_ =	sfence.sel $0x180000  }
0x6c: {  	[bflag:$0x0] =	sbarrier.arrive $0xFFFF  }
0x6d: {  	p0 =	sne.s32 s1, $0x0;
	_ =	strace $0x90000047  }
0x6e: {  	s0 =	sadd.s32 @!p0 $0x100000, s0;
	[bflag:$0x2] =	sbarrier.arrive $0xFFFF  }
0x6f: {  	[sflag:s0] =	ssyncadd.tile.s32 @!p0 $0x1;
	_ =	shalt  }
.Lfunc_end2:
_tile_overlayer_lowered:
.L_overlay_start_2:
0x70: {  	(tag) =	ssettag $0x2  }
0x71: {  	s0 =	rddreg [dreg:$0x0];
	s2 =	stileid.u32  }
0x72: {  	s1 =	rddreg [dreg:$0x1];
	p0 =	sne.s32 s2, $0x0  }
0x73: {  	s3 =	rddreg [dreg:$0x2];
	[bflag:$0x3] =	sbarrier.arrive $0xFFFF;
	s2 =	simm.s32 @!p0 $0x1C01  }
0x74: {  	[timem:s3], [sflag:s2] =	dma.local @!p0 [hbm:s0], s1  }
0x75: {  	s0 =	simm.s32 @!p0 $0x1  }
0x76: {  	_ =	swait.ge @!p0 [sflag:s0], s1  }
0x77: {  	s1 =	ssub.s32 @!p0 $0x0, s1;
	[sflag:s0] =	ssyncset.done @!p0 $0x0  }
0x78: {  	[sflag:s0] =	ssyncadd.s32 @!p0 s1  }
0x79: {  	[bflag:$0x3] =	sbarrier.arrive $0xFFFF  }
0x7a: {  	_ =	shalt  }

</sc_bundles>
